<compile_context>
chip_gen: v7x
topology: tpu7x:2x2x1
jax: 0.10.2.dev20260603
libtpu: 0.0.44.dev20260713+nightly
codegen_flags: <defaults>
</compile_context>

<pallas_src>
import jax
import jax.numpy as jnp
from jax import lax
from jax.experimental import pallas as pl
from jax.experimental.pallas import tpu as pltpu
from jax.experimental.pallas import tpu_sc as plsc

N = 10000
D = 128
H = 128
E = 320000

N_PAD = 10240
DUMP = N
NC, NS = 2, 16
NW = NC * NS
CHUNK = 128
CPW = 80
TCH = 2560
C0 = 160
PH = 80
E_PAD = TCH * CHUNK
RPS = N_PAD // NS

BLK = 256
GRID = N_PAD // BLK
LBLK = 400
LGRID = N // LBLK


def _sc_mesh():
    return plsc.VectorSubcoreMesh(
        core_axis_name="c", subcore_axis_name="s", num_cores=NC, num_subcores=NS)



def _deg_body(dst_hbm, zeros_hbm, out_hbm, didx, ones_v, acc):
    c = lax.axis_index("c")
    s = lax.axis_index("s")
    wid = c * NS + s

    def put1(i, carry):
        ones_v[i, :] = jnp.ones((16,), jnp.float32)
        return carry

    lax.fori_loop(0, CHUNK, put1, 0)
    pltpu.sync_copy(dst_hbm.at[pl.ds(wid * CPW, CPW), :], didx)
    pltpu.sync_copy(zeros_hbm, acc.at[pl.ds(s * RPS, RPS), :])
    plsc.subcore_barrier()

    def step(k, carry):
        pltpu.sync_copy(ones_v, acc.at[didx.at[k]], add=True)
        return carry

    lax.fori_loop(0, CPW, step, 0)
    plsc.subcore_barrier()
    pltpu.sync_copy(acc.at[pl.ds(s * RPS, RPS), :],
                    out_hbm.at[c, pl.ds(s * RPS, RPS), :])


def _deg_kernel(*args):
    return pl.kernel(
        _deg_body,
        out_type=jax.ShapeDtypeStruct((NC, N_PAD, 16), jnp.float32),
        mesh=_sc_mesh(),
        scratch_types=[
            pltpu.VMEM((CPW, CHUNK), jnp.int32),
            pltpu.VMEM((CHUNK, 16), jnp.float32),
            pltpu.VMEM_SHARED((N_PAD, 16), jnp.float32),
        ],
    )(*args)


def _agg_body(table_hbm, src_hbm, dst_hbm, zeros_hbm, out_hbm,
              didx, sbuf0, sbuf1, rows0, rows1, acc,
              semi0, semi1, semr0, semr1):
    c = lax.axis_index("c")
    s = lax.axis_index("s")
    pltpu.sync_copy(zeros_hbm, acc.at[pl.ds(s * RPS, RPS), :])
    plsc.subcore_barrier()

    @pl.when(c == 0)
    def _work():
        def phase(p, carry0):
            cb = s * C0 + p * PH
            base = cb * CHUNK
            pltpu.sync_copy(dst_hbm.at[pl.ds(cb, PH), :], didx)
            pltpu.sync_copy(src_hbm.at[pl.ds(base, CHUNK)], sbuf0)
            pltpu.async_copy(table_hbm.at[sbuf0], rows0, semr0)
            pltpu.async_copy(src_hbm.at[pl.ds(base + CHUNK, CHUNK)], sbuf1, semi1)

            def step(j, carry):
                a = 2 * j
                b = a + 1
                pltpu.make_async_copy(src_hbm.at[pl.ds(base + b * CHUNK, CHUNK)],
                                      sbuf1, semi1).wait()
                pltpu.async_copy(table_hbm.at[sbuf1], rows1, semr1)
                pltpu.make_async_copy(table_hbm.at[sbuf0], rows0, semr0).wait()
                pltpu.sync_copy(rows0, acc.at[didx.at[a]], add=True)

                @pl.when(b + 1 < PH)
                def _prep_a():
                    pltpu.async_copy(
                        src_hbm.at[pl.ds(base + (b + 1) * CHUNK, CHUNK)],
                        sbuf0, semi0)

                pltpu.make_async_copy(table_hbm.at[sbuf1], rows1, semr1).wait()
                pltpu.sync_copy(rows1, acc.at[didx.at[b]], add=True)

                @pl.when(b + 1 < PH)
                def _gather_a():
                    pltpu.make_async_copy(
                        src_hbm.at[pl.ds(base + (b + 1) * CHUNK, CHUNK)],
                        sbuf0, semi0).wait()
                    pltpu.async_copy(table_hbm.at[sbuf0], rows0, semr0)

                @pl.when(b + 2 < PH)
                def _prep_b():
                    pltpu.async_copy(
                        src_hbm.at[pl.ds(base + (b + 2) * CHUNK, CHUNK)],
                        sbuf1, semi1)

                return carry

            lax.fori_loop(0, PH // 2, step, 0)
            return carry0

        lax.fori_loop(0, C0 // PH, phase, 0)

    plsc.subcore_barrier()
    pltpu.sync_copy(acc.at[pl.ds(s * RPS, RPS), :],
                    out_hbm.at[c, pl.ds(s * RPS, RPS), :])


def _agg_kernel(*args):
    return pl.kernel(
        _agg_body,
        out_type=jax.ShapeDtypeStruct((NC, N_PAD, D), jnp.float32),
        mesh=_sc_mesh(),
        scratch_types=[
            pltpu.VMEM((PH, CHUNK), jnp.int32),
            pltpu.VMEM((CHUNK,), jnp.int32),
            pltpu.VMEM((CHUNK,), jnp.int32),
            pltpu.VMEM((CHUNK, D), jnp.float32),
            pltpu.VMEM((CHUNK, D), jnp.float32),
            pltpu.VMEM_SHARED((N_PAD, D), jnp.float32),
            pltpu.SemaphoreType.DMA,
            pltpu.SemaphoreType.DMA,
            pltpu.SemaphoreType.DMA,
            pltpu.SemaphoreType.DMA,
        ],
    )(*args)



def _dinv(d0_ref, d1_ref):
    deg = d0_ref[:, 0:1] + d1_ref[:, 0:1] + 1.0
    return lax.rsqrt(deg)


def _h1_body(x_ref, w1_ref, d0_ref, d1_ref, o_ref):
    o_ref[...] = jnp.dot(x_ref[...], w1_ref[...],
                         preferred_element_type=jnp.float32) * _dinv(d0_ref, d1_ref)


def _h2_body(p0_ref, p1_ref, h1_ref, d0_ref, d1_ref, b1_ref, w2_ref, o_ref):
    dinv = _dinv(d0_ref, d1_ref)
    agg = p0_ref[...] + p1_ref[...] + h1_ref[...]
    t = jnp.maximum(agg * dinv + b1_ref[...], 0.0)
    h2 = jnp.dot(t, w2_ref[...], preferred_element_type=jnp.float32) * dinv
    row = pl.program_id(0) * BLK + lax.broadcasted_iota(jnp.int32, (BLK, 1), 0)
    o_ref[...] = jnp.where(row < N, h2, 0.0)


def _xg_body(q0_ref, q1_ref, h2_ref, d0_ref, d1_ref, b2_ref, wih_ref,
             bih_ref, bhh_ref, o_ref):
    dinv = _dinv(d0_ref, d1_ref)
    agg = q0_ref[...] + q1_ref[...] + h2_ref[...]
    t = jnp.maximum(agg * dinv + b2_ref[...], 0.0)
    o_ref[...] = (jnp.dot(t, wih_ref[...], preferred_element_type=jnp.float32)
                  + bih_ref[...] + bhh_ref[...])


def _lstm_body(xg_ref, whh_ref, wc_ref, bc_ref, o_ref, h_s, c_s):
    @pl.when(pl.program_id(0) == 0)
    def _init():
        h_s[...] = jnp.zeros_like(h_s)
        c_s[...] = jnp.zeros_like(c_s)

    def step(t, carry):
        h, c = carry
        gates = xg_ref[pl.ds(t, 1), :] + jnp.sum(
            whh_ref[...] * h.reshape(H, 1), axis=0, keepdims=True)
        i_g = jax.nn.sigmoid(gates[:, 0:H])
        f_g = jax.nn.sigmoid(gates[:, H:2 * H])
        g_g = jnp.tanh(gates[:, 2 * H:3 * H])
        o_g = jax.nn.sigmoid(gates[:, 3 * H:4 * H])
        c2 = f_g * c + i_g * g_g
        h2 = o_g * jnp.tanh(c2)
        return (h2, c2)

    h, c = lax.fori_loop(0, LBLK, step, (h_s[...], c_s[...]), unroll=4)
    h_s[...] = h
    c_s[...] = c

    @pl.when(pl.program_id(0) == LGRID - 1)
    def _final():
        o_ref[...] = jnp.dot(h, wc_ref[...],
                             preferred_element_type=jnp.float32) + bc_ref[...]


def _full(shape):
    return pl.BlockSpec(shape, lambda i: (0,) * len(shape))


def _rows(shape):
    return pl.BlockSpec(shape, lambda i: (i,) + (0,) * (len(shape) - 1))


_h1_call = pl.pallas_call(
    _h1_body,
    grid=(GRID,),
    in_specs=[_rows((BLK, D)), _full((D, H)), _rows((BLK, 16)), _rows((BLK, 16))],
    out_specs=_rows((BLK, H)),
    out_shape=jax.ShapeDtypeStruct((N_PAD, H), jnp.float32),
)

_h2_call = pl.pallas_call(
    _h2_body,
    grid=(GRID,),
    in_specs=[_rows((BLK, H)), _rows((BLK, H)), _rows((BLK, H)),
              _rows((BLK, 16)), _rows((BLK, 16)), _full((1, H)), _full((H, H))],
    out_specs=_rows((BLK, H)),
    out_shape=jax.ShapeDtypeStruct((N_PAD, H), jnp.float32),
)

_xg_call = pl.pallas_call(
    _xg_body,
    grid=(GRID,),
    in_specs=[_rows((BLK, H)), _rows((BLK, H)), _rows((BLK, H)),
              _rows((BLK, 16)), _rows((BLK, 16)), _full((1, H)),
              _full((H, 4 * H)), _full((1, 4 * H)), _full((1, 4 * H))],
    out_specs=_rows((BLK, 4 * H)),
    out_shape=jax.ShapeDtypeStruct((N_PAD, 4 * H), jnp.float32),
)

_lstm_call = pl.pallas_call(
    _lstm_body,
    grid=(LGRID,),
    in_specs=[_rows((LBLK, 4 * H)), _full((H, 4 * H)), _full((H, 128)),
              _full((1, 128))],
    out_specs=_full((1, 128)),
    out_shape=jax.ShapeDtypeStruct((1, 128), jnp.float32),
    scratch_shapes=[pltpu.VMEM((1, H), jnp.float32),
                    pltpu.VMEM((1, H), jnp.float32)],
)


def kernel(x, edge_index, timestamp, W1, b1, W2, b2, W_ih, W_hh, b_ih, b_hh,
           Wc, bc):
    pad = jnp.full((E_PAD - E,), DUMP, jnp.int32)
    src = jnp.concatenate([edge_index[0], pad])
    dst = jnp.concatenate([edge_index[1], pad]).reshape(TCH, CHUNK)
    x_pad = jnp.pad(x, ((0, N_PAD - N), (0, 0)))
    z16 = jnp.zeros((RPS, 16), jnp.float32)
    z128 = jnp.zeros((RPS, D), jnp.float32)
    b1r = b1.reshape(1, H)
    b2r = b2.reshape(1, H)
    bihr = b_ih.reshape(1, 4 * H)
    bhhr = b_hh.reshape(1, 4 * H)
    whh_bf = W_hh
    wc_pad = jnp.pad(Wc, ((0, 0), (0, 128 - Wc.shape[1])))
    bc_pad = jnp.pad(bc, (0, 128 - bc.shape[0])).reshape(1, 128)

    degs = _deg_kernel(dst, z16)
    d0, d1 = degs[0], degs[1]
    h1p = _h1_call(x_pad, W1, d0, d1)
    agg1 = _agg_kernel(h1p, src, dst, z128)
    h2p = _h2_call(agg1[0], agg1[1], h1p, d0, d1, b1r, W2)
    agg2 = _agg_kernel(h2p, src, dst, z128)
    xg = _xg_call(agg2[0], agg2[1], h2p, d0, d1, b2r, W_ih, bihr, bhhr)
    out = _lstm_call(xg, whh_bf, wc_pad, bc_pad)
    return out[:, :bc.shape[0]]

# --- scband reference (transcript-rebuilt; emitter-appended) ---
"""Pipeline reference for scband-temporal-gnn-82325933130191 (READ-ONLY COPY).

The authoritative reference and input builder live on the scoring server;
editing this copy changes nothing except your own understanding.
"""

import jax, jax.numpy as jnp
import numpy as np

N = 10000
E = 320000
D = 128
H = 128

def setup_inputs(seed: int = 0):
    key = jax.random.key(seed)
    ks = jax.random.split(key, 16)
    x = jax.random.normal(ks[0], (N, D), dtype=jnp.float32)
    edge_index = jax.random.randint(ks[1], (2, E), 0, N, dtype=jnp.int32)
    timestamp = jax.random.randint(ks[2], (N,), 0, 100000, dtype=jnp.int32)
    s1 = float(1.0 / np.sqrt(D))
    s2 = float(1.0 / np.sqrt(H))
    W1 = jax.random.normal(ks[3], (D, H), dtype=jnp.float32) * s1
    b1 = jnp.zeros((H,), dtype=jnp.float32)
    W2 = jax.random.normal(ks[4], (H, H), dtype=jnp.float32) * s2
    b2 = jnp.zeros((H,), dtype=jnp.float32)
    W_ih = jax.random.normal(ks[5], (H, 4 * H), dtype=jnp.float32) * s2
    W_hh = jax.random.normal(ks[6], (H, 4 * H), dtype=jnp.float32) * s2
    b_ih = jnp.zeros((4 * H,), dtype=jnp.float32)
    b_hh = jnp.zeros((4 * H,), dtype=jnp.float32)
    Wc = jax.random.normal(ks[7], (H, 8), dtype=jnp.float32) * s2
    bc = jnp.zeros((8,), dtype=jnp.float32)
    return {"x": x, "edge_index": edge_index, "timestamp": timestamp, "W1": W1, "b1": b1, "W2": W2, "b2": b2, "W_ih": W_ih, "W_hh": W_hh, "b_ih": b_ih, "b_hh": b_hh, "Wc": Wc, "bc": bc}

def _gcn_conv(x, edge_index, W, b, num_nodes):
    # PyG GCNConv: add self-loops, symmetric deg^{-1/2} normalization, linear, scatter-add, bias
    loop = jnp.arange(num_nodes, dtype=edge_index.dtype)
    src = jnp.concatenate([edge_index[0], loop])
    dst = jnp.concatenate([edge_index[1], loop])
    h = x @ W
    deg = jnp.zeros((num_nodes,), dtype=h.dtype).at[dst].add(1.0)
    dinv = jnp.where(deg > 0, 1.0 / jnp.sqrt(deg), 0.0)
    norm = dinv[src] * dinv[dst]
    msg = h[src] * norm[:, None]
    out = jnp.zeros((num_nodes, h.shape[1]), dtype=h.dtype).at[dst].add(msg)
    return out + b

def _forward(x, edge_index, W1, b1, W2, b2, W_ih, W_hh, b_ih, b_hh, Wc, bc):
    n = x.shape[0]
    h = jax.nn.relu(_gcn_conv(x, edge_index, W1, b1, n))
    # dropout(p=0.5) treated as identity (eval mode)
    h = jax.nn.relu(_gcn_conv(h, edge_index, W2, b2, n))
    Hd = W_hh.shape[0]
    def step(carry, xt):
        hprev, cprev = carry
        gates = xt @ W_ih + hprev @ W_hh + b_ih + b_hh
        i, f, g, o = jnp.split(gates, 4)
        i = jax.nn.sigmoid(i)
        f = jax.nn.sigmoid(f)
        g = jnp.tanh(g)
        o = jax.nn.sigmoid(o)
        c = (f * cprev + i * g).astype(cprev.dtype)
        hn = (o * jnp.tanh(c)).astype(hprev.dtype)
        return (hn, c), hn
    init = (jnp.zeros((Hd,), dtype=x.dtype), jnp.zeros((Hd,), dtype=x.dtype))
    (h_last, _), _ = jax.lax.scan(step, init, h)
    out = h_last @ Wc + bc
    return out[None, :]

def reference(x, edge_index, timestamp, W1, b1, W2, b2, W_ih, W_hh, b_ih, b_hh, Wc, bc):
    # timestamp is accepted by the torch module's forward but never used
    return _forward(x, edge_index, W1, b1, W2, b2, W_ih, W_hh, b_ih, b_hh, Wc, bc)

if __name__ == "__main__":
    import jax
    _d = setup_inputs()
    print(jax.jit(kernel)(*tuple(_d.values())))

</pallas_src>

<mosaic_0001>
#map = affine_map<(d0, d1) -> (0, 0)>
#map1 = affine_map<(d0, d1) -> (0, 0, 0)>
module attributes {stable_mosaic.version = 14 : i64} {
  func.func @_deg_body(%arg0: i32, %arg1: i32, %arg2: memref<2560x128xi32, #tpu.memory_space<hbm>>, %arg3: memref<640x16xf32, #tpu.memory_space<hbm>>, %arg4: memref<2x10240x16xf32, #tpu.memory_space<hbm>>, %arg5: memref<80x128xi32, #tpu.memory_space<vmem>>, %arg6: memref<128x16xf32, #tpu.memory_space<vmem>>, %arg7: memref<10240x16xf32, #tpu.memory_space<vmem_shared>>) attributes {dimension_semantics = [#tpu.dimension_semantics<core_parallel>, #tpu.dimension_semantics<subcore_parallel>], iteration_bounds = array<i64: 2, 16>, scalar_prefetch = 0 : i64, scratch_operands = 3 : i64, tpu.core_type = #tpu.core_type<sc_vector_subcore>, window_params = [{transform_indices = #map}, {transform_indices = #map}, {transform_indices = #map1}]} {
    %mul3A = arith.constant 16 : i32
    %mul3A_0 = arith.muli %arg0, %mul3A : i32
    %add3A = arith.addi %mul3A_0, %arg1 : i32
    %scan3A = arith.constant 0 : i32
    %scan3A_1 = arith.constant 0 : i32
    %scan3A_2 = arith.constant 128 : i32
    %scan3A_3 = arith.addi %scan3A_1, %scan3A_2 : i32
    %scan3A_4 = arith.constant 1 : i32
    scf.for %scan3A_21 = %scan3A_1 to %scan3A_3 step %scan3A_4  : i32 {
      %broadcast_in_dim3A = arith.constant 1.000000e+00 : f32
      %broadcast_in_dim3A_22 = vector.broadcast %broadcast_in_dim3A : f32 to vector<16xf32>
      %swap3A = arith.index_cast %scan3A_21 : i32 to index
      %swap3A_23 = arith.constant 0 : index
      %swap3A_24 = tpu.vector_load %arg6[%swap3A, %swap3A_23] {strides = array<i32>} : memref<128x16xf32, #tpu.memory_space<vmem>>, vector<1x16xf32>,
      %swap3A_25 = vector.shape_cast %swap3A_24 : vector<1x16xf32> to vector<16xf32>
      %swap3A_26 = vector.shape_cast %broadcast_in_dim3A_22 : vector<16xf32> to vector<1x16xf32>
      tpu.vector_store %arg6[%swap3A, %swap3A_23], %swap3A_26 {strides = array<i32>} : memref<128x16xf32, #tpu.memory_space<vmem>>, vector<1x16xf32>,
    }
    %scan3A_5 = arith.constant 128 : i32
    %mul3A_6 = arith.constant 80 : i32
    %mul3A_7 = arith.muli %add3A, %mul3A_6 : i32
    "tpu.region"() ({
      %run_scoped3A = tpu.sem_alloc : memref<!tpu.dma_semaphore, #tpu.memory_space<semaphore_mem>>
      %dma_start3A = arith.constant 0 : i32
      %dma_start3A_21 = tpu.memref_slice %arg2[%mul3A_7, %dma_start3A] : memref<2560x128xi32, #tpu.memory_space<hbm>> -> memref<80x128xi32, #tpu.memory_space<hbm>>
      %dma_start3A_22 = arith.constant 0 : i32
      %dma_start3A_23 = tpu.memref_slice %arg2[%mul3A_7, %dma_start3A_22] : memref<2560x128xi32, #tpu.memory_space<hbm>> -> memref<80x128xi32, #tpu.memory_space<hbm>>
      tpu.enqueue_dma source(%dma_start3A_23 : memref<80x128xi32, #tpu.memory_space<hbm>>) target(%arg5 : memref<80x128xi32, #tpu.memory_space<vmem>>) target_semaphore(%run_scoped3A : memref<!tpu.dma_semaphore, #tpu.memory_space<semaphore_mem>>)
      %dma_wait3A = arith.constant 0 : i32
      %dma_wait3A_24 = tpu.memref_slice %arg2[%mul3A_7, %dma_wait3A] : memref<2560x128xi32, #tpu.memory_space<hbm>> -> memref<80x128xi32, #tpu.memory_space<hbm>>
      %dma_wait3A_25 = arith.constant 0 : i32
      %dma_wait3A_26 = tpu.memref_slice %arg2[%mul3A_7, %dma_wait3A_25] : memref<2560x128xi32, #tpu.memory_space<hbm>> -> memref<80x128xi32, #tpu.memory_space<hbm>>
      tpu.wait_dma2 semaphore(%run_scoped3A : memref<!tpu.dma_semaphore, #tpu.memory_space<semaphore_mem>>) src(%dma_wait3A_26 : memref<80x128xi32, #tpu.memory_space<hbm>>) dst(%arg5 : memref<80x128xi32, #tpu.memory_space<vmem>>)
      tpu.yield
    }) : () -> ()
    %mul3A_8 = arith.constant 640 : i32
    %mul3A_9 = arith.muli %arg1, %mul3A_8 : i32
    "tpu.region"() ({
      %run_scoped3A = tpu.sem_alloc : memref<!tpu.dma_semaphore, #tpu.memory_space<semaphore_mem>>
      %dma_start3A = arith.constant 0 : i32
      %dma_start3A_21 = tpu.memref_slice %arg7[%mul3A_9, %dma_start3A] : memref<10240x16xf32, #tpu.memory_space<vmem_shared>> -> memref<640x16xf32, #tpu.memory_space<vmem_shared>>
      tpu.enqueue_dma source(%arg3 : memref<640x16xf32, #tpu.memory_space<hbm>>) target(%dma_start3A_21 : memref<640x16xf32, #tpu.memory_space<vmem_shared>>) target_semaphore(%run_scoped3A : memref<!tpu.dma_semaphore, #tpu.memory_space<semaphore_mem>>)
      %dma_wait3A = arith.constant 0 : i32
      %dma_wait3A_22 = tpu.memref_slice %arg7[%mul3A_9, %dma_wait3A] : memref<10240x16xf32, #tpu.memory_space<vmem_shared>> -> memref<640x16xf32, #tpu.memory_space<vmem_shared>>
      tpu.wait_dma2 semaphore(%run_scoped3A : memref<!tpu.dma_semaphore, #tpu.memory_space<semaphore_mem>>) src(%arg3 : memref<640x16xf32, #tpu.memory_space<hbm>>) dst(%dma_wait3A_22 : memref<640x16xf32, #tpu.memory_space<vmem_shared>>)
      tpu.yield
    }) : () -> ()
    %barrier3A = arith.constant 0 : index
    tpu.barrier barrier_id(%barrier3A)
    %scan3A_10 = arith.constant 0 : i32
    %scan3A_11 = arith.constant 0 : i32
    %scan3A_12 = arith.constant 80 : i32
    %scan3A_13 = arith.addi %scan3A_11, %scan3A_12 : i32
    %scan3A_14 = arith.constant 1 : i32
    scf.for %scan3A_21 = %scan3A_11 to %scan3A_13 step %scan3A_14  : i32 {
      "tpu.region"() ({
        %run_scoped3A = tpu.sem_alloc : memref<!tpu.dma_semaphore, #tpu.memory_space<semaphore_mem>>
        %dma_start3A = arith.constant 0 : i32
        %dma_start3A_22 = tpu.memref_slice %arg5[%scan3A_21, %dma_start3A] : memref<80x128xi32, #tpu.memory_space<vmem>> -> memref<1x128xi32, #tpu.memory_space<vmem>>
        %dma_start3A_23 = tpu.memref_squeeze %dma_start3A_22 : memref<1x128xi32, #tpu.memory_space<vmem>> -> memref<128xi32, #tpu.memory_space<vmem>>
        %dma_start3A_24 = arith.constant 0 : i32
        %dma_start3A_25 = arith.constant 0 : i32
        %dma_start3A_26 = tpu.memref_slice %arg7[%dma_start3A_24, %dma_start3A_25] : memref<10240x16xf32, #tpu.memory_space<vmem_shared>> -> memref<10240x16xf32, #tpu.memory_space<vmem_shared>>
        tpu.enqueue_indirect_dma source(%arg6 : memref<128x16xf32, #tpu.memory_space<vmem>>) target(%dma_start3A_26 : memref<10240x16xf32, #tpu.memory_space<vmem_shared>>) offsets(%dma_start3A_23 : memref<128xi32, #tpu.memory_space<vmem>>) semaphore(%run_scoped3A : memref<!tpu.dma_semaphore, #tpu.memory_space<semaphore_mem>>) {add = true}
        %dma_wait3A = arith.constant 0 : i32
        %dma_wait3A_27 = tpu.memref_slice %arg5[%scan3A_21, %dma_wait3A] : memref<80x128xi32, #tpu.memory_space<vmem>> -> memref<1x128xi32, #tpu.memory_space<vmem>>
        %dma_wait3A_28 = tpu.memref_squeeze %dma_wait3A_27 : memref<1x128xi32, #tpu.memory_space<vmem>> -> memref<128xi32, #tpu.memory_space<vmem>>
        %dma_wait3A_29 = arith.constant 0 : i32
        %dma_wait3A_30 = arith.constant 0 : i32
        %dma_wait3A_31 = tpu.memref_slice %arg7[%dma_wait3A_29, %dma_wait3A_30] : memref<10240x16xf32, #tpu.memory_space<vmem_shared>> -> memref<10240x16xf32, #tpu.memory_space<vmem_shared>>
        tpu.wait_indirect_dma semaphore(%run_scoped3A : memref<!tpu.dma_semaphore, #tpu.memory_space<semaphore_mem>>) src(%arg6 : memref<128x16xf32, #tpu.memory_space<vmem>>) dst(%dma_wait3A_31 : memref<10240x16xf32, #tpu.memory_space<vmem_shared>>)
        tpu.yield
      }) : () -> ()
    }
    %scan3A_15 = arith.constant 80 : i32
    %barrier3A_16 = arith.constant 0 : index
    tpu.barrier barrier_id(%barrier3A_16)
    %mul3A_17 = arith.constant 640 : i32
    %mul3A_18 = arith.muli %arg1, %mul3A_17 : i32
    %mul3A_19 = arith.constant 640 : i32
    %mul3A_20 = arith.muli %arg1, %mul3A_19 : i32
    "tpu.region"() ({
      %run_scoped3A = tpu.sem_alloc : memref<!tpu.dma_semaphore, #tpu.memory_space<semaphore_mem>>
      %dma_start3A = arith.constant 0 : i32
      %dma_start3A_21 = tpu.memref_slice %arg4[%arg0, %mul3A_20, %dma_start3A] : memref<2x10240x16xf32, #tpu.memory_space<hbm>> -> memref<1x640x16xf32, #tpu.memory_space<hbm>>
      %dma_start3A_22 = tpu.memref_squeeze %dma_start3A_21 : memref<1x640x16xf32, #tpu.memory_space<hbm>> -> memref<640x16xf32, #tpu.memory_space<hbm>>
      %dma_start3A_23 = arith.constant 0 : i32
      %dma_start3A_24 = tpu.memref_slice %arg7[%mul3A_18, %dma_start3A_23] : memref<10240x16xf32, #tpu.memory_space<vmem_shared>> -> memref<640x16xf32, #tpu.memory_space<vmem_shared>>
      tpu.enqueue_dma source(%dma_start3A_24 : memref<640x16xf32, #tpu.memory_space<vmem_shared>>) target(%dma_start3A_22 : memref<640x16xf32, #tpu.memory_space<hbm>>) target_semaphore(%run_scoped3A : memref<!tpu.dma_semaphore, #tpu.memory_space<semaphore_mem>>)
      %dma_wait3A = arith.constant 0 : i32
      %dma_wait3A_25 = tpu.memref_slice %arg4[%arg0, %mul3A_20, %dma_wait3A] : memref<2x10240x16xf32, #tpu.memory_space<hbm>> -> memref<1x640x16xf32, #tpu.memory_space<hbm>>
      %dma_wait3A_26 = tpu.memref_squeeze %dma_wait3A_25 : memref<1x640x16xf32, #tpu.memory_space<hbm>> -> memref<640x16xf32, #tpu.memory_space<hbm>>
      %dma_wait3A_27 = arith.constant 0 : i32
      %dma_wait3A_28 = tpu.memref_slice %arg7[%mul3A_18, %dma_wait3A_27] : memref<10240x16xf32, #tpu.memory_space<vmem_shared>> -> memref<640x16xf32, #tpu.memory_space<vmem_shared>>
      tpu.wait_dma2 semaphore(%run_scoped3A : memref<!tpu.dma_semaphore, #tpu.memory_space<semaphore_mem>>) src(%dma_wait3A_28 : memref<640x16xf32, #tpu.memory_space<vmem_shared>>) dst(%dma_wait3A_26 : memref<640x16xf32, #tpu.memory_space<hbm>>)
      tpu.yield
    }) : () -> ()
    return
  }
}

#map = affine_map<(d0, d1) -> (0, 0)>
#map1 = affine_map<(d0, d1) -> (0)>
#map2 = affine_map<(d0, d1) -> (0, 0, 0)>
module attributes {stable_mosaic.version = 14 : i64} {
  func.func @_agg_body(%arg0: i32, %arg1: i32, %arg2: memref<10240x128xf32, #tpu.memory_space<hbm>>, %arg3: memref<327680xi32, #tpu.memory_space<hbm>>, %arg4: memref<2560x128xi32, #tpu.memory_space<hbm>>, %arg5: memref<640x128xf32, #tpu.memory_space<hbm>>, %arg6: memref<2x10240x128xf32, #tpu.memory_space<hbm>>, %arg7: memref<80x128xi32, #tpu.memory_space<vmem>>, %arg8: memref<128xi32, #tpu.memory_space<vmem>>, %arg9: memref<128xi32, #tpu.memory_space<vmem>>, %arg10: memref<128x128xf32, #tpu.memory_space<vmem>>, %arg11: memref<128x128xf32, #tpu.memory_space<vmem>>, %arg12: memref<10240x128xf32, #tpu.memory_space<vmem_shared>>, %arg13: memref<!tpu.dma_semaphore, #tpu.memory_space<semaphore_mem>>, %arg14: memref<!tpu.dma_semaphore, #tpu.memory_space<semaphore_mem>>, %arg15: memref<!tpu.dma_semaphore, #tpu.memory_space<semaphore_mem>>, %arg16: memref<!tpu.dma_semaphore, #tpu.memory_space<semaphore_mem>>) attributes {dimension_semantics = [#tpu.dimension_semantics<core_parallel>, #tpu.dimension_semantics<subcore_parallel>], iteration_bounds = array<i64: 2, 16>, scalar_prefetch = 0 : i64, scratch_operands = 10 : i64, tpu.core_type = #tpu.core_type<sc_vector_subcore>, window_params = [{transform_indices = #map}, {transform_indices = #map1}, {transform_indices = #map}, {transform_indices = #map}, {transform_indices = #map2}]} {
    %mul3A = arith.constant 640 : i32
    %mul3A_0 = arith.muli %arg1, %mul3A : i32
    "tpu.region"() ({
      %run_scoped3A = tpu.sem_alloc : memref<!tpu.dma_semaphore, #tpu.memory_space<semaphore_mem>>
      %dma_start3A = arith.constant 0 : i32
      %dma_start3A_8 = tpu.memref_slice %arg12[%mul3A_0, %dma_start3A] : memref<10240x128xf32, #tpu.memory_space<vmem_shared>> -> memref<640x128xf32, #tpu.memory_space<vmem_shared>>
      tpu.enqueue_dma source(%arg5 : memref<640x128xf32, #tpu.memory_space<hbm>>) target(%dma_start3A_8 : memref<640x128xf32, #tpu.memory_space<vmem_shared>>) target_semaphore(%run_scoped3A : memref<!tpu.dma_semaphore, #tpu.memory_space<semaphore_mem>>)
      %dma_wait3A = arith.constant 0 : i32
      %dma_wait3A_9 = tpu.memref_slice %arg12[%mul3A_0, %dma_wait3A] : memref<10240x128xf32, #tpu.memory_space<vmem_shared>> -> memref<640x128xf32, #tpu.memory_space<vmem_shared>>
      tpu.wait_dma2 semaphore(%run_scoped3A : memref<!tpu.dma_semaphore, #tpu.memory_space<semaphore_mem>>) src(%arg5 : memref<640x128xf32, #tpu.memory_space<hbm>>) dst(%dma_wait3A_9 : memref<640x128xf32, #tpu.memory_space<vmem_shared>>)
      tpu.yield
    }) : () -> ()
    %barrier3A = arith.constant 0 : index
    tpu.barrier barrier_id(%barrier3A)
    %eq3A = arith.constant 0 : i32
    %eq3A_1 = arith.cmpi eq, %arg0, %eq3A : i32
    %convert_element_type3A = arith.extui %eq3A_1 : i1 to i32
    %cond3A = arith.constant 0 : i32
    %cond3A_2 = arith.cmpi ne, %convert_element_type3A, %cond3A : i32
    scf.if %cond3A_2 {
      %scan3A = arith.constant 0 : i32
      %scan3A_8 = arith.constant 0 : i32
      %scan3A_9 = arith.constant 2 : i32
      %scan3A_10 = arith.addi %scan3A_8, %scan3A_9 : i32
      %scan3A_11 = arith.constant 1 : i32
      scf.for %scan3A_13 = %scan3A_8 to %scan3A_10 step %scan3A_11  : i32 {
        %mul3A_14 = arith.constant 160 : i32
        %mul3A_15 = arith.muli %arg1, %mul3A_14 : i32
        %mul3A_16 = arith.constant 80 : i32
        %mul3A_17 = arith.muli %scan3A_13, %mul3A_16 : i32
        %add3A = arith.addi %mul3A_15, %mul3A_17 : i32
        %mul3A_18 = arith.constant 128 : i32
        %mul3A_19 = arith.muli %add3A, %mul3A_18 : i32
        "tpu.region"() ({
          %run_scoped3A = tpu.sem_alloc : memref<!tpu.dma_semaphore, #tpu.memory_space<semaphore_mem>>
          %dma_start3A_32 = arith.constant 0 : i32
          %dma_start3A_33 = tpu.memref_slice %arg4[%add3A, %dma_start3A_32] : memref<2560x128xi32, #tpu.memory_space<hbm>> -> memref<80x128xi32, #tpu.memory_space<hbm>>
          %dma_start3A_34 = arith.constant 0 : i32
          %dma_start3A_35 = tpu.memref_slice %arg4[%add3A, %dma_start3A_34] : memref<2560x128xi32, #tpu.memory_space<hbm>> -> memref<80x128xi32, #tpu.memory_space<hbm>>
          tpu.enqueue_dma source(%dma_start3A_35 : memref<80x128xi32, #tpu.memory_space<hbm>>) target(%arg7 : memref<80x128xi32, #tpu.memory_space<vmem>>) target_semaphore(%run_scoped3A : memref<!tpu.dma_semaphore, #tpu.memory_space<semaphore_mem>>)
          %dma_wait3A = arith.constant 0 : i32
          %dma_wait3A_36 = tpu.memref_slice %arg4[%add3A, %dma_wait3A] : memref<2560x128xi32, #tpu.memory_space<hbm>> -> memref<80x128xi32, #tpu.memory_space<hbm>>
          %dma_wait3A_37 = arith.constant 0 : i32
          %dma_wait3A_38 = tpu.memref_slice %arg4[%add3A, %dma_wait3A_37] : memref<2560x128xi32, #tpu.memory_space<hbm>> -> memref<80x128xi32, #tpu.memory_space<hbm>>
          tpu.wait_dma2 semaphore(%run_scoped3A : memref<!tpu.dma_semaphore, #tpu.memory_space<semaphore_mem>>) src(%dma_wait3A_38 : memref<80x128xi32, #tpu.memory_space<hbm>>) dst(%arg7 : memref<80x128xi32, #tpu.memory_space<vmem>>)
          tpu.yield
        }) : () -> ()
        "tpu.region"() ({
          %run_scoped3A = tpu.sem_alloc : memref<!tpu.dma_semaphore, #tpu.memory_space<semaphore_mem>>
          %dma_start3A_32 = tpu.memref_slice %arg3[%mul3A_19] : memref<327680xi32, #tpu.memory_space<hbm>> -> memref<128xi32, #tpu.memory_space<hbm>>
          %dma_start3A_33 = tpu.memref_slice %arg3[%mul3A_19] : memref<327680xi32, #tpu.memory_space<hbm>> -> memref<128xi32, #tpu.memory_space<hbm>>
          tpu.enqueue_dma source(%dma_start3A_33 : memref<128xi32, #tpu.memory_space<hbm>>) target(%arg8 : memref<128xi32, #tpu.memory_space<vmem>>) target_semaphore(%run_scoped3A : memref<!tpu.dma_semaphore, #tpu.memory_space<semaphore_mem>>)
          %dma_wait3A = tpu.memref_slice %arg3[%mul3A_19] : memref<327680xi32, #tpu.memory_space<hbm>> -> memref<128xi32, #tpu.memory_space<hbm>>
          %dma_wait3A_34 = tpu.memref_slice %arg3[%mul3A_19] : memref<327680xi32, #tpu.memory_space<hbm>> -> memref<128xi32, #tpu.memory_space<hbm>>
          tpu.wait_dma2 semaphore(%run_scoped3A : memref<!tpu.dma_semaphore, #tpu.memory_space<semaphore_mem>>) src(%dma_wait3A_34 : memref<128xi32, #tpu.memory_space<hbm>>) dst(%arg8 : memref<128xi32, #tpu.memory_space<vmem>>)
          tpu.yield
        }) : () -> ()
        %dma_start3A = arith.constant 0 : i32
        %dma_start3A_20 = arith.constant 0 : i32
        %dma_start3A_21 = tpu.memref_slice %arg2[%dma_start3A, %dma_start3A_20] : memref<10240x128xf32, #tpu.memory_space<hbm>> -> memref<10240x128xf32, #tpu.memory_space<hbm>>
        tpu.enqueue_indirect_dma source(%dma_start3A_21 : memref<10240x128xf32, #tpu.memory_space<hbm>>) target(%arg10 : memref<128x128xf32, #tpu.memory_space<vmem>>) offsets(%arg8 : memref<128xi32, #tpu.memory_space<vmem>>) semaphore(%arg15 : memref<!tpu.dma_semaphore, #tpu.memory_space<semaphore_mem>>)
        %add3A_22 = arith.constant 128 : i32
        %add3A_23 = arith.addi %mul3A_19, %add3A_22 : i32
        %dma_start3A_24 = tpu.memref_slice %arg3[%add3A_23] : memref<327680xi32, #tpu.memory_space<hbm>> -> memref<128xi32, #tpu.memory_space<hbm>>
        %dma_start3A_25 = tpu.memref_slice %arg3[%add3A_23] : memref<327680xi32, #tpu.memory_space<hbm>> -> memref<128xi32, #tpu.memory_space<hbm>>
        tpu.enqueue_dma source(%dma_start3A_25 : memref<128xi32, #tpu.memory_space<hbm>>) target(%arg9 : memref<128xi32, #tpu.memory_space<vmem>>) target_semaphore(%arg14 : memref<!tpu.dma_semaphore, #tpu.memory_space<semaphore_mem>>)
        %scan3A_26 = arith.constant 0 : i32
        %scan3A_27 = arith.constant 0 : i32
        %scan3A_28 = arith.constant 40 : i32
        %scan3A_29 = arith.addi %scan3A_27, %scan3A_28 : i32
        %scan3A_30 = arith.constant 1 : i32
        scf.for %scan3A_32 = %scan3A_27 to %scan3A_29 step %scan3A_30  : i32 {
          %mul3A_33 = arith.constant 2 : i32
          %mul3A_34 = arith.muli %mul3A_33, %scan3A_32 : i32
          %add3A_35 = arith.constant 1 : i32
          %add3A_36 = arith.addi %mul3A_34, %add3A_35 : i32
          %mul3A_37 = arith.constant 128 : i32
          %mul3A_38 = arith.muli %add3A_36, %mul3A_37 : i32
          %add3A_39 = arith.addi %mul3A_19, %mul3A_38 : i32
          %dma_wait3A = tpu.memref_slice %arg3[%add3A_39] : memref<327680xi32, #tpu.memory_space<hbm>> -> memref<128xi32, #tpu.memory_space<hbm>>
          %dma_wait3A_40 = tpu.memref_slice %arg3[%add3A_39] : memref<327680xi32, #tpu.memory_space<hbm>> -> memref<128xi32, #tpu.memory_space<hbm>>
          tpu.wait_dma2 semaphore(%arg14 : memref<!tpu.dma_semaphore, #tpu.memory_space<semaphore_mem>>) src(%dma_wait3A_40 : memref<128xi32, #tpu.memory_space<hbm>>) dst(%arg9 : memref<128xi32, #tpu.memory_space<vmem>>)
          %dma_start3A_41 = arith.constant 0 : i32
          %dma_start3A_42 = arith.constant 0 : i32
          %dma_start3A_43 = tpu.memref_slice %arg2[%dma_start3A_41, %dma_start3A_42] : memref<10240x128xf32, #tpu.memory_space<hbm>> -> memref<10240x128xf32, #tpu.memory_space<hbm>>
          tpu.enqueue_indirect_dma source(%dma_start3A_43 : memref<10240x128xf32, #tpu.memory_space<hbm>>) target(%arg11 : memref<128x128xf32, #tpu.memory_space<vmem>>) offsets(%arg9 : memref<128xi32, #tpu.memory_space<vmem>>) semaphore(%arg16 : memref<!tpu.dma_semaphore, #tpu.memory_space<semaphore_mem>>)
          %dma_wait3A_44 = arith.constant 0 : i32
          %dma_wait3A_45 = arith.constant 0 : i32
          %dma_wait3A_46 = tpu.memref_slice %arg2[%dma_wait3A_44, %dma_wait3A_45] : memref<10240x128xf32, #tpu.memory_space<hbm>> -> memref<10240x128xf32, #tpu.memory_space<hbm>>
          tpu.wait_indirect_dma semaphore(%arg15 : memref<!tpu.dma_semaphore, #tpu.memory_space<semaphore_mem>>) src(%dma_wait3A_46 : memref<10240x128xf32, #tpu.memory_space<hbm>>) dst(%arg10 : memref<128x128xf32, #tpu.memory_space<vmem>>)
          "tpu.region"() ({
            %run_scoped3A = tpu.sem_alloc : memref<!tpu.dma_semaphore, #tpu.memory_space<semaphore_mem>>
            %dma_start3A_70 = arith.constant 0 : i32
            %dma_start3A_71 = tpu.memref_slice %arg7[%mul3A_34, %dma_start3A_70] : memref<80x128xi32, #tpu.memory_space<vmem>> -> memref<1x128xi32, #tpu.memory_space<vmem>>
            %dma_start3A_72 = tpu.memref_squeeze %dma_start3A_71 : memref<1x128xi32, #tpu.memory_space<vmem>> -> memref<128xi32, #tpu.memory_space<vmem>>
            %dma_start3A_73 = arith.constant 0 : i32
            %dma_start3A_74 = arith.constant 0 : i32
            %dma_start3A_75 = tpu.memref_slice %arg12[%dma_start3A_73, %dma_start3A_74] : memref<10240x128xf32, #tpu.memory_space<vmem_shared>> -> memref<10240x128xf32, #tpu.memory_space<vmem_shared>>
            tpu.enqueue_indirect_dma source(%arg10 : memref<128x128xf32, #tpu.memory_space<vmem>>) target(%dma_start3A_75 : memref<10240x128xf32, #tpu.memory_space<vmem_shared>>) offsets(%dma_start3A_72 : memref<128xi32, #tpu.memory_space<vmem>>) semaphore(%run_scoped3A : memref<!tpu.dma_semaphore, #tpu.memory_space<semaphore_mem>>) {add = true}
            %dma_wait3A_76 = arith.constant 0 : i32
            %dma_wait3A_77 = tpu.memref_slice %arg7[%mul3A_34, %dma_wait3A_76] : memref<80x128xi32, #tpu.memory_space<vmem>> -> memref<1x128xi32, #tpu.memory_space<vmem>>
            %dma_wait3A_78 = tpu.memref_squeeze %dma_wait3A_77 : memref<1x128xi32, #tpu.memory_space<vmem>> -> memref<128xi32, #tpu.memory_space<vmem>>
            %dma_wait3A_79 = arith.constant 0 : i32
            %dma_wait3A_80 = arith.constant 0 : i32
            %dma_wait3A_81 = tpu.memref_slice %arg12[%dma_wait3A_79, %dma_wait3A_80] : memref<10240x128xf32, #tpu.memory_space<vmem_shared>> -> memref<10240x128xf32, #tpu.memory_space<vmem_shared>>
            tpu.wait_indirect_dma semaphore(%run_scoped3A : memref<!tpu.dma_semaphore, #tpu.memory_space<semaphore_mem>>) src(%arg10 : memref<128x128xf32, #tpu.memory_space<vmem>>) dst(%dma_wait3A_81 : memref<10240x128xf32, #tpu.memory_space<vmem_shared>>)
            tpu.yield
          }) : () -> ()
          %add3A_47 = arith.constant 1 : i32
          %add3A_48 = arith.addi %add3A_36, %add3A_47 : i32
          %lt3A = arith.constant 80 : i32
          %lt3A_49 = arith.cmpi slt, %add3A_48, %lt3A : i32
          %convert_element_type3A_50 = arith.extui %lt3A_49 : i1 to i32
          %cond3A_51 = arith.constant 0 : i32
          %cond3A_52 = arith.cmpi ne, %convert_element_type3A_50, %cond3A_51 : i32
          scf.if %cond3A_52 {
            %add3A_70 = arith.constant 1 : i32
            %add3A_71 = arith.addi %add3A_36, %add3A_70 : i32
            %mul3A_72 = arith.constant 128 : i32
            %mul3A_73 = arith.muli %add3A_71, %mul3A_72 : i32
            %add3A_74 = arith.addi %mul3A_19, %mul3A_73 : i32
            %dma_start3A_75 = tpu.memref_slice %arg3[%add3A_74] : memref<327680xi32, #tpu.memory_space<hbm>> -> memref<128xi32, #tpu.memory_space<hbm>>
            %dma_start3A_76 = tpu.memref_slice %arg3[%add3A_74] : memref<327680xi32, #tpu.memory_space<hbm>> -> memref<128xi32, #tpu.memory_space<hbm>>
            tpu.enqueue_dma source(%dma_start3A_76 : memref<128xi32, #tpu.memory_space<hbm>>) target(%arg8 : memref<128xi32, #tpu.memory_space<vmem>>) target_semaphore(%arg13 : memref<!tpu.dma_semaphore, #tpu.memory_space<semaphore_mem>>)
          } else {
          }
          %dma_wait3A_53 = arith.constant 0 : i32
          %dma_wait3A_54 = arith.constant 0 : i32
          %dma_wait3A_55 = tpu.memref_slice %arg2[%dma_wait3A_53, %dma_wait3A_54] : memref<10240x128xf32, #tpu.memory_space<hbm>> -> memref<10240x128xf32, #tpu.memory_space<hbm>>
          tpu.wait_indirect_dma semaphore(%arg16 : memref<!tpu.dma_semaphore, #tpu.memory_space<semaphore_mem>>) src(%dma_wait3A_55 : memref<10240x128xf32, #tpu.memory_space<hbm>>) dst(%arg11 : memref<128x128xf32, #tpu.memory_space<vmem>>)
          "tpu.region"() ({
            %run_scoped3A = tpu.sem_alloc : memref<!tpu.dma_semaphore, #tpu.memory_space<semaphore_mem>>
            %dma_start3A_70 = arith.constant 0 : i32
            %dma_start3A_71 = tpu.memref_slice %arg7[%add3A_36, %dma_start3A_70] : memref<80x128xi32, #tpu.memory_space<vmem>> -> memref<1x128xi32, #tpu.memory_space<vmem>>
            %dma_start3A_72 = tpu.memref_squeeze %dma_start3A_71 : memref<1x128xi32, #tpu.memory_space<vmem>> -> memref<128xi32, #tpu.memory_space<vmem>>
            %dma_start3A_73 = arith.constant 0 : i32
            %dma_start3A_74 = arith.constant 0 : i32
            %dma_start3A_75 = tpu.memref_slice %arg12[%dma_start3A_73, %dma_start3A_74] : memref<10240x128xf32, #tpu.memory_space<vmem_shared>> -> memref<10240x128xf32, #tpu.memory_space<vmem_shared>>
            tpu.enqueue_indirect_dma source(%arg11 : memref<128x128xf32, #tpu.memory_space<vmem>>) target(%dma_start3A_75 : memref<10240x128xf32, #tpu.memory_space<vmem_shared>>) offsets(%dma_start3A_72 : memref<128xi32, #tpu.memory_space<vmem>>) semaphore(%run_scoped3A : memref<!tpu.dma_semaphore, #tpu.memory_space<semaphore_mem>>) {add = true}
            %dma_wait3A_76 = arith.constant 0 : i32
            %dma_wait3A_77 = tpu.memref_slice %arg7[%add3A_36, %dma_wait3A_76] : memref<80x128xi32, #tpu.memory_space<vmem>> -> memref<1x128xi32, #tpu.memory_space<vmem>>
            %dma_wait3A_78 = tpu.memref_squeeze %dma_wait3A_77 : memref<1x128xi32, #tpu.memory_space<vmem>> -> memref<128xi32, #tpu.memory_space<vmem>>
            %dma_wait3A_79 = arith.constant 0 : i32
            %dma_wait3A_80 = arith.constant 0 : i32
            %dma_wait3A_81 = tpu.memref_slice %arg12[%dma_wait3A_79, %dma_wait3A_80] : memref<10240x128xf32, #tpu.memory_space<vmem_shared>> -> memref<10240x128xf32, #tpu.memory_space<vmem_shared>>
            tpu.wait_indirect_dma semaphore(%run_scoped3A : memref<!tpu.dma_semaphore, #tpu.memory_space<semaphore_mem>>) src(%arg11 : memref<128x128xf32, #tpu.memory_space<vmem>>) dst(%dma_wait3A_81 : memref<10240x128xf32, #tpu.memory_space<vmem_shared>>)
            tpu.yield
          }) : () -> ()
          %add3A_56 = arith.constant 1 : i32
          %add3A_57 = arith.addi %add3A_36, %add3A_56 : i32
          %lt3A_58 = arith.constant 80 : i32
          %lt3A_59 = arith.cmpi slt, %add3A_57, %lt3A_58 : i32
          %convert_element_type3A_60 = arith.extui %lt3A_59 : i1 to i32
          %cond3A_61 = arith.constant 0 : i32
          %cond3A_62 = arith.cmpi ne, %convert_element_type3A_60, %cond3A_61 : i32
          scf.if %cond3A_62 {
            %add3A_70 = arith.constant 1 : i32
            %add3A_71 = arith.addi %add3A_36, %add3A_70 : i32
            %mul3A_72 = arith.constant 128 : i32
            %mul3A_73 = arith.muli %add3A_71, %mul3A_72 : i32
            %add3A_74 = arith.addi %mul3A_19, %mul3A_73 : i32
            %dma_wait3A_75 = tpu.memref_slice %arg3[%add3A_74] : memref<327680xi32, #tpu.memory_space<hbm>> -> memref<128xi32, #tpu.memory_space<hbm>>
            %dma_wait3A_76 = tpu.memref_slice %arg3[%add3A_74] : memref<327680xi32, #tpu.memory_space<hbm>> -> memref<128xi32, #tpu.memory_space<hbm>>
            tpu.wait_dma2 semaphore(%arg13 : memref<!tpu.dma_semaphore, #tpu.memory_space<semaphore_mem>>) src(%dma_wait3A_76 : memref<128xi32, #tpu.memory_space<hbm>>) dst(%arg8 : memref<128xi32, #tpu.memory_space<vmem>>)
            %dma_start3A_77 = arith.constant 0 : i32
            %dma_start3A_78 = arith.constant 0 : i32
            %dma_start3A_79 = tpu.memref_slice %arg2[%dma_start3A_77, %dma_start3A_78] : memref<10240x128xf32, #tpu.memory_space<hbm>> -> memref<10240x128xf32, #tpu.memory_space<hbm>>
            tpu.enqueue_indirect_dma source(%dma_start3A_79 : memref<10240x128xf32, #tpu.memory_space<hbm>>) target(%arg10 : memref<128x128xf32, #tpu.memory_space<vmem>>) offsets(%arg8 : memref<128xi32, #tpu.memory_space<vmem>>) semaphore(%arg15 : memref<!tpu.dma_semaphore, #tpu.memory_space<semaphore_mem>>)
          } else {
          }
          %add3A_63 = arith.constant 2 : i32
          %add3A_64 = arith.addi %add3A_36, %add3A_63 : i32
          %lt3A_65 = arith.constant 80 : i32
          %lt3A_66 = arith.cmpi slt, %add3A_64, %lt3A_65 : i32
          %convert_element_type3A_67 = arith.extui %lt3A_66 : i1 to i32
          %cond3A_68 = arith.constant 0 : i32
          %cond3A_69 = arith.cmpi ne, %convert_element_type3A_67, %cond3A_68 : i32
          scf.if %cond3A_69 {
            %add3A_70 = arith.constant 2 : i32
            %add3A_71 = arith.addi %add3A_36, %add3A_70 : i32
            %mul3A_72 = arith.constant 128 : i32
            %mul3A_73 = arith.muli %add3A_71, %mul3A_72 : i32
            %add3A_74 = arith.addi %mul3A_19, %mul3A_73 : i32
            %dma_start3A_75 = tpu.memref_slice %arg3[%add3A_74] : memref<327680xi32, #tpu.memory_space<hbm>> -> memref<128xi32, #tpu.memory_space<hbm>>
            %dma_start3A_76 = tpu.memref_slice %arg3[%add3A_74] : memref<327680xi32, #tpu.memory_space<hbm>> -> memref<128xi32, #tpu.memory_space<hbm>>
            tpu.enqueue_dma source(%dma_start3A_76 : memref<128xi32, #tpu.memory_space<hbm>>) target(%arg9 : memref<128xi32, #tpu.memory_space<vmem>>) target_semaphore(%arg14 : memref<!tpu.dma_semaphore, #tpu.memory_space<semaphore_mem>>)
          } else {
          }
        }
        %scan3A_31 = arith.constant 40 : i32
      }
      %scan3A_12 = arith.constant 2 : i32
    } else {
    }
    %barrier3A_3 = arith.constant 0 : index
    tpu.barrier barrier_id(%barrier3A_3)
    %mul3A_4 = arith.constant 640 : i32
    %mul3A_5 = arith.muli %arg1, %mul3A_4 : i32
    %mul3A_6 = arith.constant 640 : i32
    %mul3A_7 = arith.muli %arg1, %mul3A_6 : i32
    "tpu.region"() ({
      %run_scoped3A = tpu.sem_alloc : memref<!tpu.dma_semaphore, #tpu.memory_space<semaphore_mem>>
      %dma_start3A = arith.constant 0 : i32
      %dma_start3A_8 = tpu.memref_slice %arg6[%arg0, %mul3A_7, %dma_start3A] : memref<2x10240x128xf32, #tpu.memory_space<hbm>> -> memref<1x640x128xf32, #tpu.memory_space<hbm>>
      %dma_start3A_9 = tpu.memref_squeeze %dma_start3A_8 : memref<1x640x128xf32, #tpu.memory_space<hbm>> -> memref<640x128xf32, #tpu.memory_space<hbm>>
      %dma_start3A_10 = arith.constant 0 : i32
      %dma_start3A_11 = tpu.memref_slice %arg12[%mul3A_5, %dma_start3A_10] : memref<10240x128xf32, #tpu.memory_space<vmem_shared>> -> memref<640x128xf32, #tpu.memory_space<vmem_shared>>
      tpu.enqueue_dma source(%dma_start3A_11 : memref<640x128xf32, #tpu.memory_space<vmem_shared>>) target(%dma_start3A_9 : memref<640x128xf32, #tpu.memory_space<hbm>>) target_semaphore(%run_scoped3A : memref<!tpu.dma_semaphore, #tpu.memory_space<semaphore_mem>>)
      %dma_wait3A = arith.constant 0 : i32
      %dma_wait3A_12 = tpu.memref_slice %arg6[%arg0, %mul3A_7, %dma_wait3A] : memref<2x10240x128xf32, #tpu.memory_space<hbm>> -> memref<1x640x128xf32, #tpu.memory_space<hbm>>
      %dma_wait3A_13 = tpu.memref_squeeze %dma_wait3A_12 : memref<1x640x128xf32, #tpu.memory_space<hbm>> -> memref<640x128xf32, #tpu.memory_space<hbm>>
      %dma_wait3A_14 = arith.constant 0 : i32
      %dma_wait3A_15 = tpu.memref_slice %arg12[%mul3A_5, %dma_wait3A_14] : memref<10240x128xf32, #tpu.memory_space<vmem_shared>> -> memref<640x128xf32, #tpu.memory_space<vmem_shared>>
      tpu.wait_dma2 semaphore(%run_scoped3A : memref<!tpu.dma_semaphore, #tpu.memory_space<semaphore_mem>>) src(%dma_wait3A_15 : memref<640x128xf32, #tpu.memory_space<vmem_shared>>) dst(%dma_wait3A_13 : memref<640x128xf32, #tpu.memory_space<hbm>>)
      tpu.yield
    }) : () -> ()
    return
  }
}

#map = affine_map<(d0, d1) -> (0, 0)>
#map1 = affine_map<(d0, d1) -> (0)>
#map2 = affine_map<(d0, d1) -> (0, 0, 0)>
module attributes {stable_mosaic.version = 14 : i64} {
  func.func @_agg_body(%arg0: i32, %arg1: i32, %arg2: memref<10240x128xf32, #tpu.memory_space<hbm>>, %arg3: memref<327680xi32, #tpu.memory_space<hbm>>, %arg4: memref<2560x128xi32, #tpu.memory_space<hbm>>, %arg5: memref<640x128xf32, #tpu.memory_space<hbm>>, %arg6: memref<2x10240x128xf32, #tpu.memory_space<hbm>>, %arg7: memref<80x128xi32, #tpu.memory_space<vmem>>, %arg8: memref<128xi32, #tpu.memory_space<vmem>>, %arg9: memref<128xi32, #tpu.memory_space<vmem>>, %arg10: memref<128x128xf32, #tpu.memory_space<vmem>>, %arg11: memref<128x128xf32, #tpu.memory_space<vmem>>, %arg12: memref<10240x128xf32, #tpu.memory_space<vmem_shared>>, %arg13: memref<!tpu.dma_semaphore, #tpu.memory_space<semaphore_mem>>, %arg14: memref<!tpu.dma_semaphore, #tpu.memory_space<semaphore_mem>>, %arg15: memref<!tpu.dma_semaphore, #tpu.memory_space<semaphore_mem>>, %arg16: memref<!tpu.dma_semaphore, #tpu.memory_space<semaphore_mem>>) attributes {dimension_semantics = [#tpu.dimension_semantics<core_parallel>, #tpu.dimension_semantics<subcore_parallel>], iteration_bounds = array<i64: 2, 16>, scalar_prefetch = 0 : i64, scratch_operands = 10 : i64, tpu.core_type = #tpu.core_type<sc_vector_subcore>, window_params = [{transform_indices = #map}, {transform_indices = #map1}, {transform_indices = #map}, {transform_indices = #map}, {transform_indices = #map2}]} {
    %mul3A = arith.constant 640 : i32
    %mul3A_0 = arith.muli %arg1, %mul3A : i32
    "tpu.region"() ({
      %run_scoped3A = tpu.sem_alloc : memref<!tpu.dma_semaphore, #tpu.memory_space<semaphore_mem>>
      %dma_start3A = arith.constant 0 : i32
      %dma_start3A_8 = tpu.memref_slice %arg12[%mul3A_0, %dma_start3A] : memref<10240x128xf32, #tpu.memory_space<vmem_shared>> -> memref<640x128xf32, #tpu.memory_space<vmem_shared>>
      tpu.enqueue_dma source(%arg5 : memref<640x128xf32, #tpu.memory_space<hbm>>) target(%dma_start3A_8 : memref<640x128xf32, #tpu.memory_space<vmem_shared>>) target_semaphore(%run_scoped3A : memref<!tpu.dma_semaphore, #tpu.memory_space<semaphore_mem>>)
      %dma_wait3A = arith.constant 0 : i32
      %dma_wait3A_9 = tpu.memref_slice %arg12[%mul3A_0, %dma_wait3A] : memref<10240x128xf32, #tpu.memory_space<vmem_shared>> -> memref<640x128xf32, #tpu.memory_space<vmem_shared>>
      tpu.wait_dma2 semaphore(%run_scoped3A : memref<!tpu.dma_semaphore, #tpu.memory_space<semaphore_mem>>) src(%arg5 : memref<640x128xf32, #tpu.memory_space<hbm>>) dst(%dma_wait3A_9 : memref<640x128xf32, #tpu.memory_space<vmem_shared>>)
      tpu.yield
    }) : () -> ()
    %barrier3A = arith.constant 0 : index
    tpu.barrier barrier_id(%barrier3A)
    %eq3A = arith.constant 0 : i32
    %eq3A_1 = arith.cmpi eq, %arg0, %eq3A : i32
    %convert_element_type3A = arith.extui %eq3A_1 : i1 to i32
    %cond3A = arith.constant 0 : i32
    %cond3A_2 = arith.cmpi ne, %convert_element_type3A, %cond3A : i32
    scf.if %cond3A_2 {
      %scan3A = arith.constant 0 : i32
      %scan3A_8 = arith.constant 0 : i32
      %scan3A_9 = arith.constant 2 : i32
      %scan3A_10 = arith.addi %scan3A_8, %scan3A_9 : i32
      %scan3A_11 = arith.constant 1 : i32
      scf.for %scan3A_13 = %scan3A_8 to %scan3A_10 step %scan3A_11  : i32 {
        %mul3A_14 = arith.constant 160 : i32
        %mul3A_15 = arith.muli %arg1, %mul3A_14 : i32
        %mul3A_16 = arith.constant 80 : i32
        %mul3A_17 = arith.muli %scan3A_13, %mul3A_16 : i32
        %add3A = arith.addi %mul3A_15, %mul3A_17 : i32
        %mul3A_18 = arith.constant 128 : i32
        %mul3A_19 = arith.muli %add3A, %mul3A_18 : i32
        "tpu.region"() ({
          %run_scoped3A = tpu.sem_alloc : memref<!tpu.dma_semaphore, #tpu.memory_space<semaphore_mem>>
          %dma_start3A_32 = arith.constant 0 : i32
          %dma_start3A_33 = tpu.memref_slice %arg4[%add3A, %dma_start3A_32] : memref<2560x128xi32, #tpu.memory_space<hbm>> -> memref<80x128xi32, #tpu.memory_space<hbm>>
          %dma_start3A_34 = arith.constant 0 : i32
          %dma_start3A_35 = tpu.memref_slice %arg4[%add3A, %dma_start3A_34] : memref<2560x128xi32, #tpu.memory_space<hbm>> -> memref<80x128xi32, #tpu.memory_space<hbm>>
          tpu.enqueue_dma source(%dma_start3A_35 : memref<80x128xi32, #tpu.memory_space<hbm>>) target(%arg7 : memref<80x128xi32, #tpu.memory_space<vmem>>) target_semaphore(%run_scoped3A : memref<!tpu.dma_semaphore, #tpu.memory_space<semaphore_mem>>)
          %dma_wait3A = arith.constant 0 : i32
          %dma_wait3A_36 = tpu.memref_slice %arg4[%add3A, %dma_wait3A] : memref<2560x128xi32, #tpu.memory_space<hbm>> -> memref<80x128xi32, #tpu.memory_space<hbm>>
          %dma_wait3A_37 = arith.constant 0 : i32
          %dma_wait3A_38 = tpu.memref_slice %arg4[%add3A, %dma_wait3A_37] : memref<2560x128xi32, #tpu.memory_space<hbm>> -> memref<80x128xi32, #tpu.memory_space<hbm>>
          tpu.wait_dma2 semaphore(%run_scoped3A : memref<!tpu.dma_semaphore, #tpu.memory_space<semaphore_mem>>) src(%dma_wait3A_38 : memref<80x128xi32, #tpu.memory_space<hbm>>) dst(%arg7 : memref<80x128xi32, #tpu.memory_space<vmem>>)
          tpu.yield
        }) : () -> ()
        "tpu.region"() ({
          %run_scoped3A = tpu.sem_alloc : memref<!tpu.dma_semaphore, #tpu.memory_space<semaphore_mem>>
          %dma_start3A_32 = tpu.memref_slice %arg3[%mul3A_19] : memref<327680xi32, #tpu.memory_space<hbm>> -> memref<128xi32, #tpu.memory_space<hbm>>
          %dma_start3A_33 = tpu.memref_slice %arg3[%mul3A_19] : memref<327680xi32, #tpu.memory_space<hbm>> -> memref<128xi32, #tpu.memory_space<hbm>>
          tpu.enqueue_dma source(%dma_start3A_33 : memref<128xi32, #tpu.memory_space<hbm>>) target(%arg8 : memref<128xi32, #tpu.memory_space<vmem>>) target_semaphore(%run_scoped3A : memref<!tpu.dma_semaphore, #tpu.memory_space<semaphore_mem>>)
          %dma_wait3A = tpu.memref_slice %arg3[%mul3A_19] : memref<327680xi32, #tpu.memory_space<hbm>> -> memref<128xi32, #tpu.memory_space<hbm>>
          %dma_wait3A_34 = tpu.memref_slice %arg3[%mul3A_19] : memref<327680xi32, #tpu.memory_space<hbm>> -> memref<128xi32, #tpu.memory_space<hbm>>
          tpu.wait_dma2 semaphore(%run_scoped3A : memref<!tpu.dma_semaphore, #tpu.memory_space<semaphore_mem>>) src(%dma_wait3A_34 : memref<128xi32, #tpu.memory_space<hbm>>) dst(%arg8 : memref<128xi32, #tpu.memory_space<vmem>>)
          tpu.yield
        }) : () -> ()
        %dma_start3A = arith.constant 0 : i32
        %dma_start3A_20 = arith.constant 0 : i32
        %dma_start3A_21 = tpu.memref_slice %arg2[%dma_start3A, %dma_start3A_20] : memref<10240x128xf32, #tpu.memory_space<hbm>> -> memref<10240x128xf32, #tpu.memory_space<hbm>>
        tpu.enqueue_indirect_dma source(%dma_start3A_21 : memref<10240x128xf32, #tpu.memory_space<hbm>>) target(%arg10 : memref<128x128xf32, #tpu.memory_space<vmem>>) offsets(%arg8 : memref<128xi32, #tpu.memory_space<vmem>>) semaphore(%arg15 : memref<!tpu.dma_semaphore, #tpu.memory_space<semaphore_mem>>)
        %add3A_22 = arith.constant 128 : i32
        %add3A_23 = arith.addi %mul3A_19, %add3A_22 : i32
        %dma_start3A_24 = tpu.memref_slice %arg3[%add3A_23] : memref<327680xi32, #tpu.memory_space<hbm>> -> memref<128xi32, #tpu.memory_space<hbm>>
        %dma_start3A_25 = tpu.memref_slice %arg3[%add3A_23] : memref<327680xi32, #tpu.memory_space<hbm>> -> memref<128xi32, #tpu.memory_space<hbm>>
        tpu.enqueue_dma source(%dma_start3A_25 : memref<128xi32, #tpu.memory_space<hbm>>) target(%arg9 : memref<128xi32, #tpu.memory_space<vmem>>) target_semaphore(%arg14 : memref<!tpu.dma_semaphore, #tpu.memory_space<semaphore_mem>>)
        %scan3A_26 = arith.constant 0 : i32
        %scan3A_27 = arith.constant 0 : i32
        %scan3A_28 = arith.constant 40 : i32
        %scan3A_29 = arith.addi %scan3A_27, %scan3A_28 : i32
        %scan3A_30 = arith.constant 1 : i32
        scf.for %scan3A_32 = %scan3A_27 to %scan3A_29 step %scan3A_30  : i32 {
          %mul3A_33 = arith.constant 2 : i32
          %mul3A_34 = arith.muli %mul3A_33, %scan3A_32 : i32
          %add3A_35 = arith.constant 1 : i32
          %add3A_36 = arith.addi %mul3A_34, %add3A_35 : i32
          %mul3A_37 = arith.constant 128 : i32
          %mul3A_38 = arith.muli %add3A_36, %mul3A_37 : i32
          %add3A_39 = arith.addi %mul3A_19, %mul3A_38 : i32
          %dma_wait3A = tpu.memref_slice %arg3[%add3A_39] : memref<327680xi32, #tpu.memory_space<hbm>> -> memref<128xi32, #tpu.memory_space<hbm>>
          %dma_wait3A_40 = tpu.memref_slice %arg3[%add3A_39] : memref<327680xi32, #tpu.memory_space<hbm>> -> memref<128xi32, #tpu.memory_space<hbm>>
          tpu.wait_dma2 semaphore(%arg14 : memref<!tpu.dma_semaphore, #tpu.memory_space<semaphore_mem>>) src(%dma_wait3A_40 : memref<128xi32, #tpu.memory_space<hbm>>) dst(%arg9 : memref<128xi32, #tpu.memory_space<vmem>>)
          %dma_start3A_41 = arith.constant 0 : i32
          %dma_start3A_42 = arith.constant 0 : i32
          %dma_start3A_43 = tpu.memref_slice %arg2[%dma_start3A_41, %dma_start3A_42] : memref<10240x128xf32, #tpu.memory_space<hbm>> -> memref<10240x128xf32, #tpu.memory_space<hbm>>
          tpu.enqueue_indirect_dma source(%dma_start3A_43 : memref<10240x128xf32, #tpu.memory_space<hbm>>) target(%arg11 : memref<128x128xf32, #tpu.memory_space<vmem>>) offsets(%arg9 : memref<128xi32, #tpu.memory_space<vmem>>) semaphore(%arg16 : memref<!tpu.dma_semaphore, #tpu.memory_space<semaphore_mem>>)
          %dma_wait3A_44 = arith.constant 0 : i32
          %dma_wait3A_45 = arith.constant 0 : i32
          %dma_wait3A_46 = tpu.memref_slice %arg2[%dma_wait3A_44, %dma_wait3A_45] : memref<10240x128xf32, #tpu.memory_space<hbm>> -> memref<10240x128xf32, #tpu.memory_space<hbm>>
          tpu.wait_indirect_dma semaphore(%arg15 : memref<!tpu.dma_semaphore, #tpu.memory_space<semaphore_mem>>) src(%dma_wait3A_46 : memref<10240x128xf32, #tpu.memory_space<hbm>>) dst(%arg10 : memref<128x128xf32, #tpu.memory_space<vmem>>)
          "tpu.region"() ({
            %run_scoped3A = tpu.sem_alloc : memref<!tpu.dma_semaphore, #tpu.memory_space<semaphore_mem>>
            %dma_start3A_70 = arith.constant 0 : i32
            %dma_start3A_71 = tpu.memref_slice %arg7[%mul3A_34, %dma_start3A_70] : memref<80x128xi32, #tpu.memory_space<vmem>> -> memref<1x128xi32, #tpu.memory_space<vmem>>
            %dma_start3A_72 = tpu.memref_squeeze %dma_start3A_71 : memref<1x128xi32, #tpu.memory_space<vmem>> -> memref<128xi32, #tpu.memory_space<vmem>>
            %dma_start3A_73 = arith.constant 0 : i32
            %dma_start3A_74 = arith.constant 0 : i32
            %dma_start3A_75 = tpu.memref_slice %arg12[%dma_start3A_73, %dma_start3A_74] : memref<10240x128xf32, #tpu.memory_space<vmem_shared>> -> memref<10240x128xf32, #tpu.memory_space<vmem_shared>>
            tpu.enqueue_indirect_dma source(%arg10 : memref<128x128xf32, #tpu.memory_space<vmem>>) target(%dma_start3A_75 : memref<10240x128xf32, #tpu.memory_space<vmem_shared>>) offsets(%dma_start3A_72 : memref<128xi32, #tpu.memory_space<vmem>>) semaphore(%run_scoped3A : memref<!tpu.dma_semaphore, #tpu.memory_space<semaphore_mem>>) {add = true}
            %dma_wait3A_76 = arith.constant 0 : i32
            %dma_wait3A_77 = tpu.memref_slice %arg7[%mul3A_34, %dma_wait3A_76] : memref<80x128xi32, #tpu.memory_space<vmem>> -> memref<1x128xi32, #tpu.memory_space<vmem>>
            %dma_wait3A_78 = tpu.memref_squeeze %dma_wait3A_77 : memref<1x128xi32, #tpu.memory_space<vmem>> -> memref<128xi32, #tpu.memory_space<vmem>>
            %dma_wait3A_79 = arith.constant 0 : i32
            %dma_wait3A_80 = arith.constant 0 : i32
            %dma_wait3A_81 = tpu.memref_slice %arg12[%dma_wait3A_79, %dma_wait3A_80] : memref<10240x128xf32, #tpu.memory_space<vmem_shared>> -> memref<10240x128xf32, #tpu.memory_space<vmem_shared>>
            tpu.wait_indirect_dma semaphore(%run_scoped3A : memref<!tpu.dma_semaphore, #tpu.memory_space<semaphore_mem>>) src(%arg10 : memref<128x128xf32, #tpu.memory_space<vmem>>) dst(%dma_wait3A_81 : memref<10240x128xf32, #tpu.memory_space<vmem_shared>>)
            tpu.yield
          }) : () -> ()
          %add3A_47 = arith.constant 1 : i32
          %add3A_48 = arith.addi %add3A_36, %add3A_47 : i32
          %lt3A = arith.constant 80 : i32
          %lt3A_49 = arith.cmpi slt, %add3A_48, %lt3A : i32
          %convert_element_type3A_50 = arith.extui %lt3A_49 : i1 to i32
          %cond3A_51 = arith.constant 0 : i32
          %cond3A_52 = arith.cmpi ne, %convert_element_type3A_50, %cond3A_51 : i32
          scf.if %cond3A_52 {
            %add3A_70 = arith.constant 1 : i32
            %add3A_71 = arith.addi %add3A_36, %add3A_70 : i32
            %mul3A_72 = arith.constant 128 : i32
            %mul3A_73 = arith.muli %add3A_71, %mul3A_72 : i32
            %add3A_74 = arith.addi %mul3A_19, %mul3A_73 : i32
            %dma_start3A_75 = tpu.memref_slice %arg3[%add3A_74] : memref<327680xi32, #tpu.memory_space<hbm>> -> memref<128xi32, #tpu.memory_space<hbm>>
            %dma_start3A_76 = tpu.memref_slice %arg3[%add3A_74] : memref<327680xi32, #tpu.memory_space<hbm>> -> memref<128xi32, #tpu.memory_space<hbm>>
            tpu.enqueue_dma source(%dma_start3A_76 : memref<128xi32, #tpu.memory_space<hbm>>) target(%arg8 : memref<128xi32, #tpu.memory_space<vmem>>) target_semaphore(%arg13 : memref<!tpu.dma_semaphore, #tpu.memory_space<semaphore_mem>>)
          } else {
          }
          %dma_wait3A_53 = arith.constant 0 : i32
          %dma_wait3A_54 = arith.constant 0 : i32
          %dma_wait3A_55 = tpu.memref_slice %arg2[%dma_wait3A_53, %dma_wait3A_54] : memref<10240x128xf32, #tpu.memory_space<hbm>> -> memref<10240x128xf32, #tpu.memory_space<hbm>>
          tpu.wait_indirect_dma semaphore(%arg16 : memref<!tpu.dma_semaphore, #tpu.memory_space<semaphore_mem>>) src(%dma_wait3A_55 : memref<10240x128xf32, #tpu.memory_space<hbm>>) dst(%arg11 : memref<128x128xf32, #tpu.memory_space<vmem>>)
          "tpu.region"() ({
            %run_scoped3A = tpu.sem_alloc : memref<!tpu.dma_semaphore, #tpu.memory_space<semaphore_mem>>
            %dma_start3A_70 = arith.constant 0 : i32
            %dma_start3A_71 = tpu.memref_slice %arg7[%add3A_36, %dma_start3A_70] : memref<80x128xi32, #tpu.memory_space<vmem>> -> memref<1x128xi32, #tpu.memory_space<vmem>>
            %dma_start3A_72 = tpu.memref_squeeze %dma_start3A_71 : memref<1x128xi32, #tpu.memory_space<vmem>> -> memref<128xi32, #tpu.memory_space<vmem>>
            %dma_start3A_73 = arith.constant 0 : i32
            %dma_start3A_74 = arith.constant 0 : i32
            %dma_start3A_75 = tpu.memref_slice %arg12[%dma_start3A_73, %dma_start3A_74] : memref<10240x128xf32, #tpu.memory_space<vmem_shared>> -> memref<10240x128xf32, #tpu.memory_space<vmem_shared>>
            tpu.enqueue_indirect_dma source(%arg11 : memref<128x128xf32, #tpu.memory_space<vmem>>) target(%dma_start3A_75 : memref<10240x128xf32, #tpu.memory_space<vmem_shared>>) offsets(%dma_start3A_72 : memref<128xi32, #tpu.memory_space<vmem>>) semaphore(%run_scoped3A : memref<!tpu.dma_semaphore, #tpu.memory_space<semaphore_mem>>) {add = true}
            %dma_wait3A_76 = arith.constant 0 : i32
            %dma_wait3A_77 = tpu.memref_slice %arg7[%add3A_36, %dma_wait3A_76] : memref<80x128xi32, #tpu.memory_space<vmem>> -> memref<1x128xi32, #tpu.memory_space<vmem>>
            %dma_wait3A_78 = tpu.memref_squeeze %dma_wait3A_77 : memref<1x128xi32, #tpu.memory_space<vmem>> -> memref<128xi32, #tpu.memory_space<vmem>>
            %dma_wait3A_79 = arith.constant 0 : i32
            %dma_wait3A_80 = arith.constant 0 : i32
            %dma_wait3A_81 = tpu.memref_slice %arg12[%dma_wait3A_79, %dma_wait3A_80] : memref<10240x128xf32, #tpu.memory_space<vmem_shared>> -> memref<10240x128xf32, #tpu.memory_space<vmem_shared>>
            tpu.wait_indirect_dma semaphore(%run_scoped3A : memref<!tpu.dma_semaphore, #tpu.memory_space<semaphore_mem>>) src(%arg11 : memref<128x128xf32, #tpu.memory_space<vmem>>) dst(%dma_wait3A_81 : memref<10240x128xf32, #tpu.memory_space<vmem_shared>>)
            tpu.yield
          }) : () -> ()
          %add3A_56 = arith.constant 1 : i32
          %add3A_57 = arith.addi %add3A_36, %add3A_56 : i32
          %lt3A_58 = arith.constant 80 : i32
          %lt3A_59 = arith.cmpi slt, %add3A_57, %lt3A_58 : i32
          %convert_element_type3A_60 = arith.extui %lt3A_59 : i1 to i32
          %cond3A_61 = arith.constant 0 : i32
          %cond3A_62 = arith.cmpi ne, %convert_element_type3A_60, %cond3A_61 : i32
          scf.if %cond3A_62 {
            %add3A_70 = arith.constant 1 : i32
            %add3A_71 = arith.addi %add3A_36, %add3A_70 : i32
            %mul3A_72 = arith.constant 128 : i32
            %mul3A_73 = arith.muli %add3A_71, %mul3A_72 : i32
            %add3A_74 = arith.addi %mul3A_19, %mul3A_73 : i32
            %dma_wait3A_75 = tpu.memref_slice %arg3[%add3A_74] : memref<327680xi32, #tpu.memory_space<hbm>> -> memref<128xi32, #tpu.memory_space<hbm>>
            %dma_wait3A_76 = tpu.memref_slice %arg3[%add3A_74] : memref<327680xi32, #tpu.memory_space<hbm>> -> memref<128xi32, #tpu.memory_space<hbm>>
            tpu.wait_dma2 semaphore(%arg13 : memref<!tpu.dma_semaphore, #tpu.memory_space<semaphore_mem>>) src(%dma_wait3A_76 : memref<128xi32, #tpu.memory_space<hbm>>) dst(%arg8 : memref<128xi32, #tpu.memory_space<vmem>>)
            %dma_start3A_77 = arith.constant 0 : i32
            %dma_start3A_78 = arith.constant 0 : i32
            %dma_start3A_79 = tpu.memref_slice %arg2[%dma_start3A_77, %dma_start3A_78] : memref<10240x128xf32, #tpu.memory_space<hbm>> -> memref<10240x128xf32, #tpu.memory_space<hbm>>
            tpu.enqueue_indirect_dma source(%dma_start3A_79 : memref<10240x128xf32, #tpu.memory_space<hbm>>) target(%arg10 : memref<128x128xf32, #tpu.memory_space<vmem>>) offsets(%arg8 : memref<128xi32, #tpu.memory_space<vmem>>) semaphore(%arg15 : memref<!tpu.dma_semaphore, #tpu.memory_space<semaphore_mem>>)
          } else {
          }
          %add3A_63 = arith.constant 2 : i32
          %add3A_64 = arith.addi %add3A_36, %add3A_63 : i32
          %lt3A_65 = arith.constant 80 : i32
          %lt3A_66 = arith.cmpi slt, %add3A_64, %lt3A_65 : i32
          %convert_element_type3A_67 = arith.extui %lt3A_66 : i1 to i32
          %cond3A_68 = arith.constant 0 : i32
          %cond3A_69 = arith.cmpi ne, %convert_element_type3A_67, %cond3A_68 : i32
          scf.if %cond3A_69 {
            %add3A_70 = arith.constant 2 : i32
            %add3A_71 = arith.addi %add3A_36, %add3A_70 : i32
            %mul3A_72 = arith.constant 128 : i32
            %mul3A_73 = arith.muli %add3A_71, %mul3A_72 : i32
            %add3A_74 = arith.addi %mul3A_19, %mul3A_73 : i32
            %dma_start3A_75 = tpu.memref_slice %arg3[%add3A_74] : memref<327680xi32, #tpu.memory_space<hbm>> -> memref<128xi32, #tpu.memory_space<hbm>>
            %dma_start3A_76 = tpu.memref_slice %arg3[%add3A_74] : memref<327680xi32, #tpu.memory_space<hbm>> -> memref<128xi32, #tpu.memory_space<hbm>>
            tpu.enqueue_dma source(%dma_start3A_76 : memref<128xi32, #tpu.memory_space<hbm>>) target(%arg9 : memref<128xi32, #tpu.memory_space<vmem>>) target_semaphore(%arg14 : memref<!tpu.dma_semaphore, #tpu.memory_space<semaphore_mem>>)
          } else {
          }
        }
        %scan3A_31 = arith.constant 40 : i32
      }
      %scan3A_12 = arith.constant 2 : i32
    } else {
    }
    %barrier3A_3 = arith.constant 0 : index
    tpu.barrier barrier_id(%barrier3A_3)
    %mul3A_4 = arith.constant 640 : i32
    %mul3A_5 = arith.muli %arg1, %mul3A_4 : i32
    %mul3A_6 = arith.constant 640 : i32
    %mul3A_7 = arith.muli %arg1, %mul3A_6 : i32
    "tpu.region"() ({
      %run_scoped3A = tpu.sem_alloc : memref<!tpu.dma_semaphore, #tpu.memory_space<semaphore_mem>>
      %dma_start3A = arith.constant 0 : i32
      %dma_start3A_8 = tpu.memref_slice %arg6[%arg0, %mul3A_7, %dma_start3A] : memref<2x10240x128xf32, #tpu.memory_space<hbm>> -> memref<1x640x128xf32, #tpu.memory_space<hbm>>
      %dma_start3A_9 = tpu.memref_squeeze %dma_start3A_8 : memref<1x640x128xf32, #tpu.memory_space<hbm>> -> memref<640x128xf32, #tpu.memory_space<hbm>>
      %dma_start3A_10 = arith.constant 0 : i32
      %dma_start3A_11 = tpu.memref_slice %arg12[%mul3A_5, %dma_start3A_10] : memref<10240x128xf32, #tpu.memory_space<vmem_shared>> -> memref<640x128xf32, #tpu.memory_space<vmem_shared>>
      tpu.enqueue_dma source(%dma_start3A_11 : memref<640x128xf32, #tpu.memory_space<vmem_shared>>) target(%dma_start3A_9 : memref<640x128xf32, #tpu.memory_space<hbm>>) target_semaphore(%run_scoped3A : memref<!tpu.dma_semaphore, #tpu.memory_space<semaphore_mem>>)
      %dma_wait3A = arith.constant 0 : i32
      %dma_wait3A_12 = tpu.memref_slice %arg6[%arg0, %mul3A_7, %dma_wait3A] : memref<2x10240x128xf32, #tpu.memory_space<hbm>> -> memref<1x640x128xf32, #tpu.memory_space<hbm>>
      %dma_wait3A_13 = tpu.memref_squeeze %dma_wait3A_12 : memref<1x640x128xf32, #tpu.memory_space<hbm>> -> memref<640x128xf32, #tpu.memory_space<hbm>>
      %dma_wait3A_14 = arith.constant 0 : i32
      %dma_wait3A_15 = tpu.memref_slice %arg12[%mul3A_5, %dma_wait3A_14] : memref<10240x128xf32, #tpu.memory_space<vmem_shared>> -> memref<640x128xf32, #tpu.memory_space<vmem_shared>>
      tpu.wait_dma2 semaphore(%run_scoped3A : memref<!tpu.dma_semaphore, #tpu.memory_space<semaphore_mem>>) src(%dma_wait3A_15 : memref<640x128xf32, #tpu.memory_space<vmem_shared>>) dst(%dma_wait3A_13 : memref<640x128xf32, #tpu.memory_space<hbm>>)
      tpu.yield
    }) : () -> ()
    return
  }
}

module attributes {stable_mosaic.version = 14 : i64} {
  func.func @_h1_body(%arg0: i32, %arg1: memref<256x128xf32, #tpu.memory_space<vmem>>, %arg2: memref<128x128xf32, #tpu.memory_space<vmem>>, %arg3: memref<256x16xf32, #tpu.memory_space<vmem>>, %arg4: memref<256x16xf32, #tpu.memory_space<vmem>>, %arg5: memref<256x128xf32, #tpu.memory_space<vmem>>) attributes {dimension_semantics = [#tpu.dimension_semantics<arbitrary>], iteration_bounds = array<i64: 40>, scalar_prefetch = 0 : i64, scratch_operands = 0 : i64, tpu.core_type = #tpu.core_type<tc>, window_params = [{transform_indices = @transform_0, window_bounds = array<i64: 256, 128>}, {pipeline_mode = #tpu.pipeline_mode<synchronous>, transform_indices = @transform_1, window_bounds = array<i64: 128, 128>}, {transform_indices = @transform_2, window_bounds = array<i64: 256, 16>}, {transform_indices = @transform_3, window_bounds = array<i64: 256, 16>}, {transform_indices = @transform_4, window_bounds = array<i64: 256, 128>}]} {
    %get3A = arith.constant 0 : index
    %get3A_0 = arith.constant 0 : index
    %get3A_1 = vector.load %arg1[%get3A, %get3A_0] : memref<256x128xf32, #tpu.memory_space<vmem>>, vector<256x128xf32>
    %get3A_2 = arith.constant 0 : index
    %get3A_3 = arith.constant 0 : index
    %get3A_4 = vector.load %arg2[%get3A_2, %get3A_3] : memref<128x128xf32, #tpu.memory_space<vmem>>, vector<128x128xf32>
    %dot_general3A = arith.constant dense<0.000000e+00> : vector<256x128xf32>
    %dot_general3A_5 = tpu.matmul %get3A_1, %get3A_4, %dot_general3A {dimension_numbers = #tpu.dot_dimension_numbers<[1], [0], [0], [1], [0, 0, 1, 1], [], []>, transpose_lhs_hint = false} : vector<256x128xf32>, vector<128x128xf32>, vector<256x128xf32> -> vector<256x128xf32>
    %get3A_6 = arith.constant 0 : index
    %get3A_7 = arith.constant 0 : index
    %get3A_8 = vector.load %arg3[%get3A_6, %get3A_7] : memref<256x16xf32, #tpu.memory_space<vmem>>, vector<256x1xf32>
    %get3A_9 = arith.constant 0 : index
    %get3A_10 = arith.constant 0 : index
    %get3A_11 = vector.load %arg4[%get3A_9, %get3A_10] : memref<256x16xf32, #tpu.memory_space<vmem>>, vector<256x1xf32>
    %add3A = arith.addf %get3A_8, %get3A_11 : vector<256x1xf32>
    %add3A_12 = arith.constant 1.000000e+00 : f32
    %add3A_13 = vector.broadcast %add3A_12 : f32 to vector<256x1xf32>
    %add3A_14 = arith.addf %add3A, %add3A_13 : vector<256x1xf32>
    %rsqrt3A = math.rsqrt %add3A_14 : vector<256x1xf32>
    %mul3A = vector.broadcast %rsqrt3A : vector<256x1xf32> to vector<256x128xf32>
    %mul3A_15 = arith.mulf %dot_general3A_5, %mul3A : vector<256x128xf32>
    %swap3A = arith.constant 0 : index
    %swap3A_16 = arith.constant 0 : index
    %swap3A_17 = vector.load %arg5[%swap3A, %swap3A_16] : memref<256x128xf32, #tpu.memory_space<vmem>>, vector<256x128xf32>
    tpu.vector_store %arg5[%swap3A, %swap3A_16], %mul3A_15 {strides = array<i32>} : memref<256x128xf32, #tpu.memory_space<vmem>>, vector<256x128xf32>,
    return
  }
  func.func @transform_0(%arg0: i32) -> (i32, i32) {
    %c0_i32 = arith.constant 0 : i32
    %c0_i32_0 = arith.constant 0 : i32
    return %arg0, %c0_i32 : i32, i32
  }
  func.func @transform_1(%arg0: i32) -> (i32, i32) {
    %c0_i32 = arith.constant 0 : i32
    %c0_i32_0 = arith.constant 0 : i32
    %c0_i32_1 = arith.constant 0 : i32
    return %c0_i32, %c0_i32_0 : i32, i32
  }
  func.func @transform_2(%arg0: i32) -> (i32, i32) {
    %c0_i32 = arith.constant 0 : i32
    %c0_i32_0 = arith.constant 0 : i32
    return %arg0, %c0_i32 : i32, i32
  }
  func.func @transform_3(%arg0: i32) -> (i32, i32) {
    %c0_i32 = arith.constant 0 : i32
    %c0_i32_0 = arith.constant 0 : i32
    return %arg0, %c0_i32 : i32, i32
  }
  func.func @transform_4(%arg0: i32) -> (i32, i32) {
    %c0_i32 = arith.constant 0 : i32
    %c0_i32_0 = arith.constant 0 : i32
    return %arg0, %c0_i32 : i32, i32
  }
}

module attributes {stable_mosaic.version = 14 : i64} {
  func.func @_h2_body(%arg0: i32, %arg1: memref<256x128xf32, #tpu.memory_space<vmem>>, %arg2: memref<256x128xf32, #tpu.memory_space<vmem>>, %arg3: memref<256x128xf32, #tpu.memory_space<vmem>>, %arg4: memref<256x16xf32, #tpu.memory_space<vmem>>, %arg5: memref<256x16xf32, #tpu.memory_space<vmem>>, %arg6: memref<1x128xf32, #tpu.memory_space<vmem>>, %arg7: memref<128x128xf32, #tpu.memory_space<vmem>>, %arg8: memref<256x128xf32, #tpu.memory_space<vmem>>) attributes {dimension_semantics = [#tpu.dimension_semantics<arbitrary>], iteration_bounds = array<i64: 40>, scalar_prefetch = 0 : i64, scratch_operands = 0 : i64, tpu.core_type = #tpu.core_type<tc>, window_params = [{transform_indices = @transform_0, window_bounds = array<i64: 256, 128>}, {transform_indices = @transform_1, window_bounds = array<i64: 256, 128>}, {transform_indices = @transform_2, window_bounds = array<i64: 256, 128>}, {transform_indices = @transform_3, window_bounds = array<i64: 256, 16>}, {transform_indices = @transform_4, window_bounds = array<i64: 256, 16>}, {pipeline_mode = #tpu.pipeline_mode<synchronous>, transform_indices = @transform_5, window_bounds = array<i64: 1, 128>}, {pipeline_mode = #tpu.pipeline_mode<synchronous>, transform_indices = @transform_6, window_bounds = array<i64: 128, 128>}, {transform_indices = @transform_7, window_bounds = array<i64: 256, 128>}]} {
    %get3A = arith.constant 0 : index
    %get3A_0 = arith.constant 0 : index
    %get3A_1 = vector.load %arg4[%get3A, %get3A_0] : memref<256x16xf32, #tpu.memory_space<vmem>>, vector<256x1xf32>
    %get3A_2 = arith.constant 0 : index
    %get3A_3 = arith.constant 0 : index
    %get3A_4 = vector.load %arg5[%get3A_2, %get3A_3] : memref<256x16xf32, #tpu.memory_space<vmem>>, vector<256x1xf32>
    %add3A = arith.addf %get3A_1, %get3A_4 : vector<256x1xf32>
    %add3A_5 = arith.constant 1.000000e+00 : f32
    %add3A_6 = vector.broadcast %add3A_5 : f32 to vector<256x1xf32>
    %add3A_7 = arith.addf %add3A, %add3A_6 : vector<256x1xf32>
    %rsqrt3A = math.rsqrt %add3A_7 : vector<256x1xf32>
    %get3A_8 = arith.constant 0 : index
    %get3A_9 = arith.constant 0 : index
    %get3A_10 = vector.load %arg1[%get3A_8, %get3A_9] : memref<256x128xf32, #tpu.memory_space<vmem>>, vector<256x128xf32>
    %get3A_11 = arith.constant 0 : index
    %get3A_12 = arith.constant 0 : index
    %get3A_13 = vector.load %arg2[%get3A_11, %get3A_12] : memref<256x128xf32, #tpu.memory_space<vmem>>, vector<256x128xf32>
    %add3A_14 = arith.addf %get3A_10, %get3A_13 : vector<256x128xf32>
    %get3A_15 = arith.constant 0 : index
    %get3A_16 = arith.constant 0 : index
    %get3A_17 = vector.load %arg3[%get3A_15, %get3A_16] : memref<256x128xf32, #tpu.memory_space<vmem>>, vector<256x128xf32>
    %add3A_18 = arith.addf %add3A_14, %get3A_17 : vector<256x128xf32>
    %mul3A = vector.broadcast %rsqrt3A : vector<256x1xf32> to vector<256x128xf32>
    %mul3A_19 = arith.mulf %add3A_18, %mul3A : vector<256x128xf32>
    %get3A_20 = arith.constant 0 : index
    %get3A_21 = arith.constant 0 : index
    %get3A_22 = vector.load %arg6[%get3A_20, %get3A_21] : memref<1x128xf32, #tpu.memory_space<vmem>>, vector<1x128xf32>
    %add3A_23 = vector.broadcast %get3A_22 : vector<1x128xf32> to vector<256x128xf32>
    %add3A_24 = arith.addf %mul3A_19, %add3A_23 : vector<256x128xf32>
    %max3A = arith.constant 0.000000e+00 : f32
    %max3A_25 = vector.broadcast %max3A : f32 to vector<256x128xf32>
    %max3A_26 = arith.maximumf %add3A_24, %max3A_25 : vector<256x128xf32>
    %get3A_27 = arith.constant 0 : index
    %get3A_28 = arith.constant 0 : index
    %get3A_29 = vector.load %arg7[%get3A_27, %get3A_28] : memref<128x128xf32, #tpu.memory_space<vmem>>, vector<128x128xf32>
    %dot_general3A = arith.constant dense<0.000000e+00> : vector<256x128xf32>
    %dot_general3A_30 = tpu.matmul %max3A_26, %get3A_29, %dot_general3A {dimension_numbers = #tpu.dot_dimension_numbers<[1], [0], [0], [1], [0, 0, 1, 1], [], []>, transpose_lhs_hint = false} : vector<256x128xf32>, vector<128x128xf32>, vector<256x128xf32> -> vector<256x128xf32>
    %mul3A_31 = vector.broadcast %rsqrt3A : vector<256x1xf32> to vector<256x128xf32>
    %mul3A_32 = arith.mulf %dot_general3A_30, %mul3A_31 : vector<256x128xf32>
    %mul3A_33 = arith.constant 256 : i32
    %mul3A_34 = arith.muli %arg0, %mul3A_33 : i32
    %iota3A = tpu.iota {dimensions = array<i32: 0>} : vector<256x1xi32>
    %add3A_35 = vector.broadcast %mul3A_34 : i32 to vector<256x1xi32>
    %add3A_36 = arith.addi %add3A_35, %iota3A : vector<256x1xi32>
    %lt3A = arith.constant 10000 : i32
    %lt3A_37 = vector.broadcast %lt3A : i32 to vector<256x1xi32>
    %lt3A_38 = arith.cmpi slt, %add3A_36, %lt3A_37 : vector<256x1xi32>
    %jit3A = arith.constant 0.000000e+00 : f32
    %broadcast_in_dim3A = vector.shape_cast %lt3A_38 : vector<256x1xi1> to vector<256x1xi1>
    %broadcast_in_dim3A_39 = vector.broadcast %broadcast_in_dim3A : vector<256x1xi1> to vector<256x128xi1>
    %broadcast_in_dim3A_40 = vector.broadcast %jit3A : f32 to vector<256x128xf32>
    %select_n3A = arith.select %broadcast_in_dim3A_39, %mul3A_32, %broadcast_in_dim3A_40 : vector<256x128xi1>, vector<256x128xf32>
    %swap3A = arith.constant 0 : index
    %swap3A_41 = arith.constant 0 : index
    %swap3A_42 = vector.load %arg8[%swap3A, %swap3A_41] : memref<256x128xf32, #tpu.memory_space<vmem>>, vector<256x128xf32>
    tpu.vector_store %arg8[%swap3A, %swap3A_41], %select_n3A {strides = array<i32>} : memref<256x128xf32, #tpu.memory_space<vmem>>, vector<256x128xf32>,
    return
  }
  func.func @transform_0(%arg0: i32) -> (i32, i32) {
    %c0_i32 = arith.constant 0 : i32
    %c0_i32_0 = arith.constant 0 : i32
    return %arg0, %c0_i32 : i32, i32
  }
  func.func @transform_1(%arg0: i32) -> (i32, i32) {
    %c0_i32 = arith.constant 0 : i32
    %c0_i32_0 = arith.constant 0 : i32
    return %arg0, %c0_i32 : i32, i32
  }
  func.func @transform_2(%arg0: i32) -> (i32, i32) {
    %c0_i32 = arith.constant 0 : i32
    %c0_i32_0 = arith.constant 0 : i32
    return %arg0, %c0_i32 : i32, i32
  }
  func.func @transform_3(%arg0: i32) -> (i32, i32) {
    %c0_i32 = arith.constant 0 : i32
    %c0_i32_0 = arith.constant 0 : i32
    return %arg0, %c0_i32 : i32, i32
  }
  func.func @transform_4(%arg0: i32) -> (i32, i32) {
    %c0_i32 = arith.constant 0 : i32
    %c0_i32_0 = arith.constant 0 : i32
    return %arg0, %c0_i32 : i32, i32
  }
  func.func @transform_5(%arg0: i32) -> (i32, i32) {
    %c0_i32 = arith.constant 0 : i32
    %c0_i32_0 = arith.constant 0 : i32
    %c0_i32_1 = arith.constant 0 : i32
    return %c0_i32, %c0_i32_0 : i32, i32
  }
  func.func @transform_6(%arg0: i32) -> (i32, i32) {
    %c0_i32 = arith.constant 0 : i32
    %c0_i32_0 = arith.constant 0 : i32
    %c0_i32_1 = arith.constant 0 : i32
    return %c0_i32, %c0_i32_0 : i32, i32
  }
  func.func @transform_7(%arg0: i32) -> (i32, i32) {
    %c0_i32 = arith.constant 0 : i32
    %c0_i32_0 = arith.constant 0 : i32
    return %arg0, %c0_i32 : i32, i32
  }
}

module attributes {stable_mosaic.version = 14 : i64} {
  func.func @_xg_body(%arg0: i32, %arg1: memref<256x128xf32, #tpu.memory_space<vmem>>, %arg2: memref<256x128xf32, #tpu.memory_space<vmem>>, %arg3: memref<256x128xf32, #tpu.memory_space<vmem>>, %arg4: memref<256x16xf32, #tpu.memory_space<vmem>>, %arg5: memref<256x16xf32, #tpu.memory_space<vmem>>, %arg6: memref<1x128xf32, #tpu.memory_space<vmem>>, %arg7: memref<128x512xf32, #tpu.memory_space<vmem>>, %arg8: memref<1x512xf32, #tpu.memory_space<vmem>>, %arg9: memref<1x512xf32, #tpu.memory_space<vmem>>, %arg10: memref<256x512xf32, #tpu.memory_space<vmem>>) attributes {dimension_semantics = [#tpu.dimension_semantics<arbitrary>], iteration_bounds = array<i64: 40>, scalar_prefetch = 0 : i64, scratch_operands = 0 : i64, tpu.core_type = #tpu.core_type<tc>, window_params = [{transform_indices = @transform_0, window_bounds = array<i64: 256, 128>}, {transform_indices = @transform_1, window_bounds = array<i64: 256, 128>}, {transform_indices = @transform_2, window_bounds = array<i64: 256, 128>}, {transform_indices = @transform_3, window_bounds = array<i64: 256, 16>}, {transform_indices = @transform_4, window_bounds = array<i64: 256, 16>}, {pipeline_mode = #tpu.pipeline_mode<synchronous>, transform_indices = @transform_5, window_bounds = array<i64: 1, 128>}, {pipeline_mode = #tpu.pipeline_mode<synchronous>, transform_indices = @transform_6, window_bounds = array<i64: 128, 512>}, {pipeline_mode = #tpu.pipeline_mode<synchronous>, transform_indices = @transform_7, window_bounds = array<i64: 1, 512>}, {pipeline_mode = #tpu.pipeline_mode<synchronous>, transform_indices = @transform_8, window_bounds = array<i64: 1, 512>}, {transform_indices = @transform_9, window_bounds = array<i64: 256, 512>}]} {
    %get3A = arith.constant 0 : index
    %get3A_0 = arith.constant 0 : index
    %get3A_1 = vector.load %arg4[%get3A, %get3A_0] : memref<256x16xf32, #tpu.memory_space<vmem>>, vector<256x1xf32>
    %get3A_2 = arith.constant 0 : index
    %get3A_3 = arith.constant 0 : index
    %get3A_4 = vector.load %arg5[%get3A_2, %get3A_3] : memref<256x16xf32, #tpu.memory_space<vmem>>, vector<256x1xf32>
    %add3A = arith.addf %get3A_1, %get3A_4 : vector<256x1xf32>
    %add3A_5 = arith.constant 1.000000e+00 : f32
    %add3A_6 = vector.broadcast %add3A_5 : f32 to vector<256x1xf32>
    %add3A_7 = arith.addf %add3A, %add3A_6 : vector<256x1xf32>
    %rsqrt3A = math.rsqrt %add3A_7 : vector<256x1xf32>
    %get3A_8 = arith.constant 0 : index
    %get3A_9 = arith.constant 0 : index
    %get3A_10 = vector.load %arg1[%get3A_8, %get3A_9] : memref<256x128xf32, #tpu.memory_space<vmem>>, vector<256x128xf32>
    %get3A_11 = arith.constant 0 : index
    %get3A_12 = arith.constant 0 : index
    %get3A_13 = vector.load %arg2[%get3A_11, %get3A_12] : memref<256x128xf32, #tpu.memory_space<vmem>>, vector<256x128xf32>
    %add3A_14 = arith.addf %get3A_10, %get3A_13 : vector<256x128xf32>
    %get3A_15 = arith.constant 0 : index
    %get3A_16 = arith.constant 0 : index
    %get3A_17 = vector.load %arg3[%get3A_15, %get3A_16] : memref<256x128xf32, #tpu.memory_space<vmem>>, vector<256x128xf32>
    %add3A_18 = arith.addf %add3A_14, %get3A_17 : vector<256x128xf32>
    %mul3A = vector.broadcast %rsqrt3A : vector<256x1xf32> to vector<256x128xf32>
    %mul3A_19 = arith.mulf %add3A_18, %mul3A : vector<256x128xf32>
    %get3A_20 = arith.constant 0 : index
    %get3A_21 = arith.constant 0 : index
    %get3A_22 = vector.load %arg6[%get3A_20, %get3A_21] : memref<1x128xf32, #tpu.memory_space<vmem>>, vector<1x128xf32>
    %add3A_23 = vector.broadcast %get3A_22 : vector<1x128xf32> to vector<256x128xf32>
    %add3A_24 = arith.addf %mul3A_19, %add3A_23 : vector<256x128xf32>
    %max3A = arith.constant 0.000000e+00 : f32
    %max3A_25 = vector.broadcast %max3A : f32 to vector<256x128xf32>
    %max3A_26 = arith.maximumf %add3A_24, %max3A_25 : vector<256x128xf32>
    %get3A_27 = arith.constant 0 : index
    %get3A_28 = arith.constant 0 : index
    %get3A_29 = vector.load %arg7[%get3A_27, %get3A_28] : memref<128x512xf32, #tpu.memory_space<vmem>>, vector<128x512xf32>
    %dot_general3A = arith.constant dense<0.000000e+00> : vector<256x512xf32>
    %dot_general3A_30 = tpu.matmul %max3A_26, %get3A_29, %dot_general3A {dimension_numbers = #tpu.dot_dimension_numbers<[1], [0], [0], [1], [0, 0, 1, 1], [], []>, transpose_lhs_hint = false} : vector<256x128xf32>, vector<128x512xf32>, vector<256x512xf32> -> vector<256x512xf32>
    %get3A_31 = arith.constant 0 : index
    %get3A_32 = arith.constant 0 : index
    %get3A_33 = vector.load %arg8[%get3A_31, %get3A_32] : memref<1x512xf32, #tpu.memory_space<vmem>>, vector<1x512xf32>
    %add3A_34 = vector.broadcast %get3A_33 : vector<1x512xf32> to vector<256x512xf32>
    %add3A_35 = arith.addf %dot_general3A_30, %add3A_34 : vector<256x512xf32>
    %get3A_36 = arith.constant 0 : index
    %get3A_37 = arith.constant 0 : index
    %get3A_38 = vector.load %arg9[%get3A_36, %get3A_37] : memref<1x512xf32, #tpu.memory_space<vmem>>, vector<1x512xf32>
    %add3A_39 = vector.broadcast %get3A_38 : vector<1x512xf32> to vector<256x512xf32>
    %add3A_40 = arith.addf %add3A_35, %add3A_39 : vector<256x512xf32>
    %swap3A = arith.constant 0 : index
    %swap3A_41 = arith.constant 0 : index
    %swap3A_42 = vector.load %arg10[%swap3A, %swap3A_41] : memref<256x512xf32, #tpu.memory_space<vmem>>, vector<256x512xf32>
    tpu.vector_store %arg10[%swap3A, %swap3A_41], %add3A_40 {strides = array<i32>} : memref<256x512xf32, #tpu.memory_space<vmem>>, vector<256x512xf32>,
    return
  }
  func.func @transform_0(%arg0: i32) -> (i32, i32) {
    %c0_i32 = arith.constant 0 : i32
    %c0_i32_0 = arith.constant 0 : i32
    return %arg0, %c0_i32 : i32, i32
  }
  func.func @transform_1(%arg0: i32) -> (i32, i32) {
    %c0_i32 = arith.constant 0 : i32
    %c0_i32_0 = arith.constant 0 : i32
    return %arg0, %c0_i32 : i32, i32
  }
  func.func @transform_2(%arg0: i32) -> (i32, i32) {
    %c0_i32 = arith.constant 0 : i32
    %c0_i32_0 = arith.constant 0 : i32
    return %arg0, %c0_i32 : i32, i32
  }
  func.func @transform_3(%arg0: i32) -> (i32, i32) {
    %c0_i32 = arith.constant 0 : i32
    %c0_i32_0 = arith.constant 0 : i32
    return %arg0, %c0_i32 : i32, i32
  }
  func.func @transform_4(%arg0: i32) -> (i32, i32) {
    %c0_i32 = arith.constant 0 : i32
    %c0_i32_0 = arith.constant 0 : i32
    return %arg0, %c0_i32 : i32, i32
  }
  func.func @transform_5(%arg0: i32) -> (i32, i32) {
    %c0_i32 = arith.constant 0 : i32
    %c0_i32_0 = arith.constant 0 : i32
    %c0_i32_1 = arith.constant 0 : i32
    return %c0_i32, %c0_i32_0 : i32, i32
  }
  func.func @transform_6(%arg0: i32) -> (i32, i32) {
    %c0_i32 = arith.constant 0 : i32
    %c0_i32_0 = arith.constant 0 : i32
    %c0_i32_1 = arith.constant 0 : i32
    return %c0_i32, %c0_i32_0 : i32, i32
  }
  func.func @transform_7(%arg0: i32) -> (i32, i32) {
    %c0_i32 = arith.constant 0 : i32
    %c0_i32_0 = arith.constant 0 : i32
    %c0_i32_1 = arith.constant 0 : i32
    return %c0_i32, %c0_i32_0 : i32, i32
  }
  func.func @transform_8(%arg0: i32) -> (i32, i32) {
    %c0_i32 = arith.constant 0 : i32
    %c0_i32_0 = arith.constant 0 : i32
    %c0_i32_1 = arith.constant 0 : i32
    return %c0_i32, %c0_i32_0 : i32, i32
  }
  func.func @transform_9(%arg0: i32) -> (i32, i32) {
    %c0_i32 = arith.constant 0 : i32
    %c0_i32_0 = arith.constant 0 : i32
    return %arg0, %c0_i32 : i32, i32
  }
}

module attributes {stable_mosaic.version = 14 : i64} {
  func.func @_lstm_body(%arg0: i32, %arg1: memref<400x512xf32, #tpu.memory_space<vmem>>, %arg2: memref<128x512xf32, #tpu.memory_space<vmem>>, %arg3: memref<128x128xf32, #tpu.memory_space<vmem>>, %arg4: memref<1x128xf32, #tpu.memory_space<vmem>>, %arg5: memref<1x128xf32, #tpu.memory_space<vmem>>, %arg6: memref<1x128xf32, #tpu.memory_space<vmem>>, %arg7: memref<1x128xf32, #tpu.memory_space<vmem>>) attributes {dimension_semantics = [#tpu.dimension_semantics<arbitrary>], iteration_bounds = array<i64: 25>, scalar_prefetch = 0 : i64, scratch_operands = 2 : i64, tpu.core_type = #tpu.core_type<tc>, window_params = [{transform_indices = @transform_0, window_bounds = array<i64: 400, 512>}, {pipeline_mode = #tpu.pipeline_mode<synchronous>, transform_indices = @transform_1, window_bounds = array<i64: 128, 512>}, {pipeline_mode = #tpu.pipeline_mode<synchronous>, transform_indices = @transform_2, window_bounds = array<i64: 128, 128>}, {pipeline_mode = #tpu.pipeline_mode<synchronous>, transform_indices = @transform_3, window_bounds = array<i64: 1, 128>}, {pipeline_mode = #tpu.pipeline_mode<synchronous>, transform_indices = @transform_4, window_bounds = array<i64: 1, 128>}]} {
    %eq3A = arith.constant 0 : i32
    %eq3A_0 = arith.cmpi eq, %arg0, %eq3A : i32
    %convert_element_type3A = arith.extui %eq3A_0 : i1 to i32
    %cond3A = arith.constant 0 : i32
    %cond3A_1 = arith.cmpi ne, %convert_element_type3A, %cond3A : i32
    scf.if %cond3A_1 {
      %broadcast_in_dim3A = arith.constant 0.000000e+00 : f32
      %broadcast_in_dim3A_22 = vector.broadcast %broadcast_in_dim3A : f32 to vector<1x128xf32>
      %swap3A_23 = arith.constant 0 : index
      %swap3A_24 = arith.constant 0 : index
      %swap3A_25 = vector.load %arg6[%swap3A_23, %swap3A_24] : memref<1x128xf32, #tpu.memory_space<vmem>>, vector<1x128xf32>
      tpu.vector_store %arg6[%swap3A_23, %swap3A_24], %broadcast_in_dim3A_22 {strides = array<i32>} : memref<1x128xf32, #tpu.memory_space<vmem>>, vector<1x128xf32>,
      %broadcast_in_dim3A_26 = arith.constant 0.000000e+00 : f32
      %broadcast_in_dim3A_27 = vector.broadcast %broadcast_in_dim3A_26 : f32 to vector<1x128xf32>
      %swap3A_28 = arith.constant 0 : index
      %swap3A_29 = arith.constant 0 : index
      %swap3A_30 = vector.load %arg7[%swap3A_28, %swap3A_29] : memref<1x128xf32, #tpu.memory_space<vmem>>, vector<1x128xf32>
      tpu.vector_store %arg7[%swap3A_28, %swap3A_29], %broadcast_in_dim3A_27 {strides = array<i32>} : memref<1x128xf32, #tpu.memory_space<vmem>>, vector<1x128xf32>,
    } else {
    }
    %get3A = arith.constant 0 : index
    %get3A_2 = arith.constant 0 : index
    %get3A_3 = vector.load %arg6[%get3A, %get3A_2] : memref<1x128xf32, #tpu.memory_space<vmem>>, vector<1x128xf32>
    %get3A_4 = arith.constant 0 : index
    %get3A_5 = arith.constant 0 : index
    %get3A_6 = vector.load %arg7[%get3A_4, %get3A_5] : memref<1x128xf32, #tpu.memory_space<vmem>>, vector<1x128xf32>
    %scan3A = arith.constant 0 : i32
    %scan3A_7 = arith.constant 400 : i32
    %scan3A_8 = arith.addi %scan3A, %scan3A_7 : i32
    %scan3A_9 = arith.constant 4 : i32
    %scan3A_10:2 = scf.for %scan3A_22 = %scan3A to %scan3A_8 step %scan3A_9 iter_args(%scan3A_23 = %get3A_3, %scan3A_24 = %get3A_6) -> (vector<1x128xf32>, vector<1x128xf32>)  : i32 {
      %get3A_25 = arith.index_cast %scan3A_22 : i32 to index
      %get3A_26 = arith.constant 0 : index
      %get3A_27 = vector.load %arg1[%get3A_25, %get3A_26] : memref<400x512xf32, #tpu.memory_space<vmem>>, vector<1x512xf32>
      %get3A_28 = arith.constant 0 : index
      %get3A_29 = arith.constant 0 : index
      %get3A_30 = vector.load %arg2[%get3A_28, %get3A_29] : memref<128x512xf32, #tpu.memory_space<vmem>>, vector<128x512xf32>
      %reshape3A = vector.shape_cast %scan3A_23 : vector<1x128xf32> to vector<128x1xf32>
      %mul3A = vector.broadcast %reshape3A : vector<128x1xf32> to vector<128x512xf32>
      %mul3A_31 = arith.mulf %get3A_30, %mul3A : vector<128x512xf32>
      %reduce_sum3A = arith.constant dense<0.000000e+00> : vector<512xf32>
      %reduce_sum3A_32 = vector.multi_reduction <add>, %mul3A_31, %reduce_sum3A [0] : vector<128x512xf32> to vector<512xf32>
      %broadcast_in_dim3A = vector.shape_cast %reduce_sum3A_32 : vector<512xf32> to vector<1x512xf32>
      %add3A = arith.addf %get3A_27, %broadcast_in_dim3A : vector<1x512xf32>
      %slice3A = vector.extract_strided_slice %add3A {offsets = [0, 0], sizes = [1, 128], strides = [1, 1]} : vector<1x512xf32> to vector<1x128xf32>
      %logistic3A = arith.negf %slice3A : vector<1x128xf32>
      %logistic3A_33 = math.exp %logistic3A : vector<1x128xf32>
      %logistic3A_34 = arith.constant 1.000000e+00 : f32
      %logistic3A_35 = vector.broadcast %logistic3A_34 : f32 to vector<1x128xf32>
      %logistic3A_36 = arith.addf %logistic3A_35, %logistic3A_33 : vector<1x128xf32>
      %logistic3A_37 = arith.divf %logistic3A_35, %logistic3A_36 : vector<1x128xf32>
      %slice3A_38 = vector.extract_strided_slice %add3A {offsets = [0, 128], sizes = [1, 128], strides = [1, 1]} : vector<1x512xf32> to vector<1x128xf32>
      %logistic3A_39 = arith.negf %slice3A_38 : vector<1x128xf32>
      %logistic3A_40 = math.exp %logistic3A_39 : vector<1x128xf32>
      %logistic3A_41 = arith.constant 1.000000e+00 : f32
      %logistic3A_42 = vector.broadcast %logistic3A_41 : f32 to vector<1x128xf32>
      %logistic3A_43 = arith.addf %logistic3A_42, %logistic3A_40 : vector<1x128xf32>
      %logistic3A_44 = arith.divf %logistic3A_42, %logistic3A_43 : vector<1x128xf32>
      %slice3A_45 = vector.extract_strided_slice %add3A {offsets = [0, 256], sizes = [1, 128], strides = [1, 1]} : vector<1x512xf32> to vector<1x128xf32>
      %tanh3A = math.tanh %slice3A_45 : vector<1x128xf32>
      %slice3A_46 = vector.extract_strided_slice %add3A {offsets = [0, 384], sizes = [1, 128], strides = [1, 1]} : vector<1x512xf32> to vector<1x128xf32>
      %logistic3A_47 = arith.negf %slice3A_46 : vector<1x128xf32>
      %logistic3A_48 = math.exp %logistic3A_47 : vector<1x128xf32>
      %logistic3A_49 = arith.constant 1.000000e+00 : f32
      %logistic3A_50 = vector.broadcast %logistic3A_49 : f32 to vector<1x128xf32>
      %logistic3A_51 = arith.addf %logistic3A_50, %logistic3A_48 : vector<1x128xf32>
      %logistic3A_52 = arith.divf %logistic3A_50, %logistic3A_51 : vector<1x128xf32>
      %mul3A_53 = arith.mulf %logistic3A_44, %scan3A_24 : vector<1x128xf32>
      %mul3A_54 = arith.mulf %logistic3A_37, %tanh3A : vector<1x128xf32>
      %add3A_55 = arith.addf %mul3A_53, %mul3A_54 : vector<1x128xf32>
      %tanh3A_56 = math.tanh %add3A_55 : vector<1x128xf32>
      %mul3A_57 = arith.mulf %logistic3A_52, %tanh3A_56 : vector<1x128xf32>
      %scan3A_58 = arith.constant 1 : i32
      %scan3A_59 = arith.addi %scan3A_22, %scan3A_58 : i32
      %get3A_60 = arith.index_cast %scan3A_59 : i32 to index
      %get3A_61 = arith.constant 0 : index
      %get3A_62 = vector.load %arg1[%get3A_60, %get3A_61] : memref<400x512xf32, #tpu.memory_space<vmem>>, vector<1x512xf32>
      %get3A_63 = arith.constant 0 : index
      %get3A_64 = arith.constant 0 : index
      %get3A_65 = vector.load %arg2[%get3A_63, %get3A_64] : memref<128x512xf32, #tpu.memory_space<vmem>>, vector<128x512xf32>
      %reshape3A_66 = vector.shape_cast %mul3A_57 : vector<1x128xf32> to vector<128x1xf32>
      %mul3A_67 = vector.broadcast %reshape3A_66 : vector<128x1xf32> to vector<128x512xf32>
      %mul3A_68 = arith.mulf %get3A_65, %mul3A_67 : vector<128x512xf32>
      %reduce_sum3A_69 = arith.constant dense<0.000000e+00> : vector<512xf32>
      %reduce_sum3A_70 = vector.multi_reduction <add>, %mul3A_68, %reduce_sum3A_69 [0] : vector<128x512xf32> to vector<512xf32>
      %broadcast_in_dim3A_71 = vector.shape_cast %reduce_sum3A_70 : vector<512xf32> to vector<1x512xf32>
      %add3A_72 = arith.addf %get3A_62, %broadcast_in_dim3A_71 : vector<1x512xf32>
      %slice3A_73 = vector.extract_strided_slice %add3A_72 {offsets = [0, 0], sizes = [1, 128], strides = [1, 1]} : vector<1x512xf32> to vector<1x128xf32>
      %logistic3A_74 = arith.negf %slice3A_73 : vector<1x128xf32>
      %logistic3A_75 = math.exp %logistic3A_74 : vector<1x128xf32>
      %logistic3A_76 = arith.constant 1.000000e+00 : f32
      %logistic3A_77 = vector.broadcast %logistic3A_76 : f32 to vector<1x128xf32>
      %logistic3A_78 = arith.addf %logistic3A_77, %logistic3A_75 : vector<1x128xf32>
      %logistic3A_79 = arith.divf %logistic3A_77, %logistic3A_78 : vector<1x128xf32>
      %slice3A_80 = vector.extract_strided_slice %add3A_72 {offsets = [0, 128], sizes = [1, 128], strides = [1, 1]} : vector<1x512xf32> to vector<1x128xf32>
      %logistic3A_81 = arith.negf %slice3A_80 : vector<1x128xf32>
      %logistic3A_82 = math.exp %logistic3A_81 : vector<1x128xf32>
      %logistic3A_83 = arith.constant 1.000000e+00 : f32
      %logistic3A_84 = vector.broadcast %logistic3A_83 : f32 to vector<1x128xf32>
      %logistic3A_85 = arith.addf %logistic3A_84, %logistic3A_82 : vector<1x128xf32>
      %logistic3A_86 = arith.divf %logistic3A_84, %logistic3A_85 : vector<1x128xf32>
      %slice3A_87 = vector.extract_strided_slice %add3A_72 {offsets = [0, 256], sizes = [1, 128], strides = [1, 1]} : vector<1x512xf32> to vector<1x128xf32>
      %tanh3A_88 = math.tanh %slice3A_87 : vector<1x128xf32>
      %slice3A_89 = vector.extract_strided_slice %add3A_72 {offsets = [0, 384], sizes = [1, 128], strides = [1, 1]} : vector<1x512xf32> to vector<1x128xf32>
      %logistic3A_90 = arith.negf %slice3A_89 : vector<1x128xf32>
      %logistic3A_91 = math.exp %logistic3A_90 : vector<1x128xf32>
      %logistic3A_92 = arith.constant 1.000000e+00 : f32
      %logistic3A_93 = vector.broadcast %logistic3A_92 : f32 to vector<1x128xf32>
      %logistic3A_94 = arith.addf %logistic3A_93, %logistic3A_91 : vector<1x128xf32>
      %logistic3A_95 = arith.divf %logistic3A_93, %logistic3A_94 : vector<1x128xf32>
      %mul3A_96 = arith.mulf %logistic3A_86, %add3A_55 : vector<1x128xf32>
      %mul3A_97 = arith.mulf %logistic3A_79, %tanh3A_88 : vector<1x128xf32>
      %add3A_98 = arith.addf %mul3A_96, %mul3A_97 : vector<1x128xf32>
      %tanh3A_99 = math.tanh %add3A_98 : vector<1x128xf32>
      %mul3A_100 = arith.mulf %logistic3A_95, %tanh3A_99 : vector<1x128xf32>
      %scan3A_101 = arith.constant 2 : i32
      %scan3A_102 = arith.addi %scan3A_22, %scan3A_101 : i32
      %get3A_103 = arith.index_cast %scan3A_102 : i32 to index
      %get3A_104 = arith.constant 0 : index
      %get3A_105 = vector.load %arg1[%get3A_103, %get3A_104] : memref<400x512xf32, #tpu.memory_space<vmem>>, vector<1x512xf32>
      %get3A_106 = arith.constant 0 : index
      %get3A_107 = arith.constant 0 : index
      %get3A_108 = vector.load %arg2[%get3A_106, %get3A_107] : memref<128x512xf32, #tpu.memory_space<vmem>>, vector<128x512xf32>
      %reshape3A_109 = vector.shape_cast %mul3A_100 : vector<1x128xf32> to vector<128x1xf32>
      %mul3A_110 = vector.broadcast %reshape3A_109 : vector<128x1xf32> to vector<128x512xf32>
      %mul3A_111 = arith.mulf %get3A_108, %mul3A_110 : vector<128x512xf32>
      %reduce_sum3A_112 = arith.constant dense<0.000000e+00> : vector<512xf32>
      %reduce_sum3A_113 = vector.multi_reduction <add>, %mul3A_111, %reduce_sum3A_112 [0] : vector<128x512xf32> to vector<512xf32>
      %broadcast_in_dim3A_114 = vector.shape_cast %reduce_sum3A_113 : vector<512xf32> to vector<1x512xf32>
      %add3A_115 = arith.addf %get3A_105, %broadcast_in_dim3A_114 : vector<1x512xf32>
      %slice3A_116 = vector.extract_strided_slice %add3A_115 {offsets = [0, 0], sizes = [1, 128], strides = [1, 1]} : vector<1x512xf32> to vector<1x128xf32>
      %logistic3A_117 = arith.negf %slice3A_116 : vector<1x128xf32>
      %logistic3A_118 = math.exp %logistic3A_117 : vector<1x128xf32>
      %logistic3A_119 = arith.constant 1.000000e+00 : f32
      %logistic3A_120 = vector.broadcast %logistic3A_119 : f32 to vector<1x128xf32>
      %logistic3A_121 = arith.addf %logistic3A_120, %logistic3A_118 : vector<1x128xf32>
      %logistic3A_122 = arith.divf %logistic3A_120, %logistic3A_121 : vector<1x128xf32>
      %slice3A_123 = vector.extract_strided_slice %add3A_115 {offsets = [0, 128], sizes = [1, 128], strides = [1, 1]} : vector<1x512xf32> to vector<1x128xf32>
      %logistic3A_124 = arith.negf %slice3A_123 : vector<1x128xf32>
      %logistic3A_125 = math.exp %logistic3A_124 : vector<1x128xf32>
      %logistic3A_126 = arith.constant 1.000000e+00 : f32
      %logistic3A_127 = vector.broadcast %logistic3A_126 : f32 to vector<1x128xf32>
      %logistic3A_128 = arith.addf %logistic3A_127, %logistic3A_125 : vector<1x128xf32>
      %logistic3A_129 = arith.divf %logistic3A_127, %logistic3A_128 : vector<1x128xf32>
      %slice3A_130 = vector.extract_strided_slice %add3A_115 {offsets = [0, 256], sizes = [1, 128], strides = [1, 1]} : vector<1x512xf32> to vector<1x128xf32>
      %tanh3A_131 = math.tanh %slice3A_130 : vector<1x128xf32>
      %slice3A_132 = vector.extract_strided_slice %add3A_115 {offsets = [0, 384], sizes = [1, 128], strides = [1, 1]} : vector<1x512xf32> to vector<1x128xf32>
      %logistic3A_133 = arith.negf %slice3A_132 : vector<1x128xf32>
      %logistic3A_134 = math.exp %logistic3A_133 : vector<1x128xf32>
      %logistic3A_135 = arith.constant 1.000000e+00 : f32
      %logistic3A_136 = vector.broadcast %logistic3A_135 : f32 to vector<1x128xf32>
      %logistic3A_137 = arith.addf %logistic3A_136, %logistic3A_134 : vector<1x128xf32>
      %logistic3A_138 = arith.divf %logistic3A_136, %logistic3A_137 : vector<1x128xf32>
      %mul3A_139 = arith.mulf %logistic3A_129, %add3A_98 : vector<1x128xf32>
      %mul3A_140 = arith.mulf %logistic3A_122, %tanh3A_131 : vector<1x128xf32>
      %add3A_141 = arith.addf %mul3A_139, %mul3A_140 : vector<1x128xf32>
      %tanh3A_142 = math.tanh %add3A_141 : vector<1x128xf32>
      %mul3A_143 = arith.mulf %logistic3A_138, %tanh3A_142 : vector<1x128xf32>
      %scan3A_144 = arith.constant 3 : i32
      %scan3A_145 = arith.addi %scan3A_22, %scan3A_144 : i32
      %get3A_146 = arith.index_cast %scan3A_145 : i32 to index
      %get3A_147 = arith.constant 0 : index
      %get3A_148 = vector.load %arg1[%get3A_146, %get3A_147] : memref<400x512xf32, #tpu.memory_space<vmem>>, vector<1x512xf32>
      %get3A_149 = arith.constant 0 : index
      %get3A_150 = arith.constant 0 : index
      %get3A_151 = vector.load %arg2[%get3A_149, %get3A_150] : memref<128x512xf32, #tpu.memory_space<vmem>>, vector<128x512xf32>
      %reshape3A_152 = vector.shape_cast %mul3A_143 : vector<1x128xf32> to vector<128x1xf32>
      %mul3A_153 = vector.broadcast %reshape3A_152 : vector<128x1xf32> to vector<128x512xf32>
      %mul3A_154 = arith.mulf %get3A_151, %mul3A_153 : vector<128x512xf32>
      %reduce_sum3A_155 = arith.constant dense<0.000000e+00> : vector<512xf32>
      %reduce_sum3A_156 = vector.multi_reduction <add>, %mul3A_154, %reduce_sum3A_155 [0] : vector<128x512xf32> to vector<512xf32>
      %broadcast_in_dim3A_157 = vector.shape_cast %reduce_sum3A_156 : vector<512xf32> to vector<1x512xf32>
      %add3A_158 = arith.addf %get3A_148, %broadcast_in_dim3A_157 : vector<1x512xf32>
      %slice3A_159 = vector.extract_strided_slice %add3A_158 {offsets = [0, 0], sizes = [1, 128], strides = [1, 1]} : vector<1x512xf32> to vector<1x128xf32>
      %logistic3A_160 = arith.negf %slice3A_159 : vector<1x128xf32>
      %logistic3A_161 = math.exp %logistic3A_160 : vector<1x128xf32>
      %logistic3A_162 = arith.constant 1.000000e+00 : f32
      %logistic3A_163 = vector.broadcast %logistic3A_162 : f32 to vector<1x128xf32>
      %logistic3A_164 = arith.addf %logistic3A_163, %logistic3A_161 : vector<1x128xf32>
      %logistic3A_165 = arith.divf %logistic3A_163, %logistic3A_164 : vector<1x128xf32>
      %slice3A_166 = vector.extract_strided_slice %add3A_158 {offsets = [0, 128], sizes = [1, 128], strides = [1, 1]} : vector<1x512xf32> to vector<1x128xf32>
      %logistic3A_167 = arith.negf %slice3A_166 : vector<1x128xf32>
      %logistic3A_168 = math.exp %logistic3A_167 : vector<1x128xf32>
      %logistic3A_169 = arith.constant 1.000000e+00 : f32
      %logistic3A_170 = vector.broadcast %logistic3A_169 : f32 to vector<1x128xf32>
      %logistic3A_171 = arith.addf %logistic3A_170, %logistic3A_168 : vector<1x128xf32>
      %logistic3A_172 = arith.divf %logistic3A_170, %logistic3A_171 : vector<1x128xf32>
      %slice3A_173 = vector.extract_strided_slice %add3A_158 {offsets = [0, 256], sizes = [1, 128], strides = [1, 1]} : vector<1x512xf32> to vector<1x128xf32>
      %tanh3A_174 = math.tanh %slice3A_173 : vector<1x128xf32>
      %slice3A_175 = vector.extract_strided_slice %add3A_158 {offsets = [0, 384], sizes = [1, 128], strides = [1, 1]} : vector<1x512xf32> to vector<1x128xf32>
      %logistic3A_176 = arith.negf %slice3A_175 : vector<1x128xf32>
      %logistic3A_177 = math.exp %logistic3A_176 : vector<1x128xf32>
      %logistic3A_178 = arith.constant 1.000000e+00 : f32
      %logistic3A_179 = vector.broadcast %logistic3A_178 : f32 to vector<1x128xf32>
      %logistic3A_180 = arith.addf %logistic3A_179, %logistic3A_177 : vector<1x128xf32>
      %logistic3A_181 = arith.divf %logistic3A_179, %logistic3A_180 : vector<1x128xf32>
      %mul3A_182 = arith.mulf %logistic3A_172, %add3A_141 : vector<1x128xf32>
      %mul3A_183 = arith.mulf %logistic3A_165, %tanh3A_174 : vector<1x128xf32>
      %add3A_184 = arith.addf %mul3A_182, %mul3A_183 : vector<1x128xf32>
      %tanh3A_185 = math.tanh %add3A_184 : vector<1x128xf32>
      %mul3A_186 = arith.mulf %logistic3A_181, %tanh3A_185 : vector<1x128xf32>
      scf.yield %mul3A_186, %add3A_184 : vector<1x128xf32>, vector<1x128xf32>
    }
    %scan3A_11 = arith.constant 400 : i32
    %swap3A = arith.constant 0 : index
    %swap3A_12 = arith.constant 0 : index
    %swap3A_13 = vector.load %arg6[%swap3A, %swap3A_12] : memref<1x128xf32, #tpu.memory_space<vmem>>, vector<1x128xf32>
    tpu.vector_store %arg6[%swap3A, %swap3A_12], %scan3A_10#0 {strides = array<i32>} : memref<1x128xf32, #tpu.memory_space<vmem>>, vector<1x128xf32>,
    %swap3A_14 = arith.constant 0 : index
    %swap3A_15 = arith.constant 0 : index
    %swap3A_16 = vector.load %arg7[%swap3A_14, %swap3A_15] : memref<1x128xf32, #tpu.memory_space<vmem>>, vector<1x128xf32>
    tpu.vector_store %arg7[%swap3A_14, %swap3A_15], %scan3A_10#1 {strides = array<i32>} : memref<1x128xf32, #tpu.memory_space<vmem>>, vector<1x128xf32>,
    %eq3A_17 = arith.constant 24 : i32
    %eq3A_18 = arith.cmpi eq, %arg0, %eq3A_17 : i32
    %convert_element_type3A_19 = arith.extui %eq3A_18 : i1 to i32
    %cond3A_20 = arith.constant 0 : i32
    %cond3A_21 = arith.cmpi ne, %convert_element_type3A_19, %cond3A_20 : i32
    scf.if %cond3A_21 {
      %get3A_22 = arith.constant 0 : index
      %get3A_23 = arith.constant 0 : index
      %get3A_24 = vector.load %arg3[%get3A_22, %get3A_23] : memref<128x128xf32, #tpu.memory_space<vmem>>, vector<128x128xf32>
      %dot_general3A = arith.constant dense<0.000000e+00> : vector<1x128xf32>
      %dot_general3A_25 = tpu.matmul %scan3A_10#0, %get3A_24, %dot_general3A {dimension_numbers = #tpu.dot_dimension_numbers<[1], [0], [0], [1], [0, 0, 1, 1], [], []>, transpose_lhs_hint = false} : vector<1x128xf32>, vector<128x128xf32>, vector<1x128xf32> -> vector<1x128xf32>
      %get3A_26 = arith.constant 0 : index
      %get3A_27 = arith.constant 0 : index
      %get3A_28 = vector.load %arg4[%get3A_26, %get3A_27] : memref<1x128xf32, #tpu.memory_space<vmem>>, vector<1x128xf32>
      %add3A = arith.addf %dot_general3A_25, %get3A_28 : vector<1x128xf32>
      %swap3A_29 = arith.constant 0 : index
      %swap3A_30 = arith.constant 0 : index
      %swap3A_31 = vector.load %arg5[%swap3A_29, %swap3A_30] : memref<1x128xf32, #tpu.memory_space<vmem>>, vector<1x128xf32>
      tpu.vector_store %arg5[%swap3A_29, %swap3A_30], %add3A {strides = array<i32>} : memref<1x128xf32, #tpu.memory_space<vmem>>, vector<1x128xf32>,
    } else {
    }
    return
  }
  func.func @transform_0(%arg0: i32) -> (i32, i32) {
    %c0_i32 = arith.constant 0 : i32
    %c0_i32_0 = arith.constant 0 : i32
    return %arg0, %c0_i32 : i32, i32
  }
  func.func @transform_1(%arg0: i32) -> (i32, i32) {
    %c0_i32 = arith.constant 0 : i32
    %c0_i32_0 = arith.constant 0 : i32
    %c0_i32_1 = arith.constant 0 : i32
    return %c0_i32, %c0_i32_0 : i32, i32
  }
  func.func @transform_2(%arg0: i32) -> (i32, i32) {
    %c0_i32 = arith.constant 0 : i32
    %c0_i32_0 = arith.constant 0 : i32
    %c0_i32_1 = arith.constant 0 : i32
    return %c0_i32, %c0_i32_0 : i32, i32
  }
  func.func @transform_3(%arg0: i32) -> (i32, i32) {
    %c0_i32 = arith.constant 0 : i32
    %c0_i32_0 = arith.constant 0 : i32
    %c0_i32_1 = arith.constant 0 : i32
    return %c0_i32, %c0_i32_0 : i32, i32
  }
  func.func @transform_4(%arg0: i32) -> (i32, i32) {
    %c0_i32 = arith.constant 0 : i32
    %c0_i32_0 = arith.constant 0 : i32
    %c0_i32_1 = arith.constant 0 : i32
    return %c0_i32, %c0_i32_0 : i32, i32
  }
}

</mosaic_0001>

<sc_bundles>
// kernel: kernel.12.cloned.1.call-start
scs
__scs_entry_jumppad:
0x0: {  	(pc) =	sbr.rel $0x88, $3  }
0x1: {  	(tag) =	ssettag $0x0;
	lr =	simm.s32 $0x1  }
0x2: {  	[smem:$0x3F95] =	sst lr;
	_ =	strace $0xD0000000  }
0x3: {  	_ = 	snop  }
0x4: {  	_ = 	snop  }
0x5: {  	_ = 	snop  }
0x6: {  	_ = 	snop  }
0x7: {  	_ = 	snop  }
__scs_overlays_trampoline_lowered:
0x8: {  	[smem:$0x3FA4] =	sst s0  }
0x9: {  	[smem:$0x3FA5] =	sst s1  }
0xa: {  	[smem:$0x3FA6] =	sst s2  }
0xb: {  	[smem:$0x3FA7] =	sst s3  }
0xc: {  	[smem:$0x3FA8] =	sst s4  }
0xd: {  	[smem:$0x3FA9] =	sst s5  }
0xe: {  	[smem:$0x3FAA] =	sst s6  }
0xf: {  	[smem:$0x3FAB] =	sst s7  }
0x10: {  	[smem:$0x3FAC] =	sst s8  }
0x11: {  	[smem:$0x3FAD] =	sst s9;
	s0 =	simm.s32 @!p0 $0x0  }
0x12: {  	s1 =	sld [smem:$0x3F93];
	s0 =	simm.s32 @p0 $0x1  }
0x13: {  	[smem:$0x3FAE] =	sst s0;
	s0 =	simm.s32 @!p1 $0x0  }
0x14: {  	s2 =	sld [smem:$0x3F92];
	s0 =	simm.s32 @p1 $0x1  }
0x15: {  	[smem:$0x3FAF] =	sst s0;
	s0 =	simm.s32 @!p2 $0x0  }
0x16: {  	s3 =	sld [smem:$0x3FDB];
	s0 =	simm.s32 @p2 $0x1  }
0x17: {  	s4 =	simm.s32 $0x1BF5;
	[smem:$0x3FB1] =	sst s0  }
0x18: {  	s0 =	sld [smem:$0x3F94];
	_ =	swait.ge [sflag:s4], $0x0  }
0x19: {  	s7 =	sld [smem:$0x3F95]  }
0x1a: {  	s8 =	sadd.s32 $0xFFFFE003, lr  }
0x1b: {  	s9 =	sadd.s32 $0xFFFFFEF7, lr;
	s5 =	simm.s32 $0xFFFFFFFF;
	p2 =	slt.u32 s8, $0xFFFFF086  }
0x1c: {  	p1 =	slt.u32 s9, $0xF7A;
	s5 =	simm.s32 @!p2 $0x0  }
0x1d: {  	s5 =	simm.s32 @p1 $0x1;
	p0 =	seq.s32 s7, s2  }
0x1e: {  	s7 =	smul.u32 @!p0 $0xF7A, s2;
	p2 =	seq.s32 @!p0 s5, $0x0  }
0x1f: {  	s9 =	smul.u32 $0xF7A, s1;
	s8 =	simm.s32 @!p0 $0x1BF5;
	p2 =	por !p2, p0  }
0x20: {  	[sflag:s8] =	ssyncset.s32 @!p0 $0xFFFFF086;
	s6 =	sadd.s32 @!p0 s3, s7;
	s7 =	simm.s32 @!p0 $0x108  }
0x21: {  	s3 =	sadd.s32 s3, s9;
	s6 =	sadd.s32 @!p0 $0x88, s6;
	s7 =	simm.s32 @p2 $0x1082  }
0x22: {  	[simem:s7], [sflag:s8] =	dma.local @!p0 [hbm:s6], $0xF7A  }
0x23: {  	s9 =	sor.u32 $0xD0000000, s2;
	s6 =	simm.s32 $0x108;
	_ =	swait.ge @!p0 [sflag:s8], $0x0  }
0x24: {  	s3 =	sadd.s32 $0x88, s3;
	s6 =	simm.s32 @!p1 $0x1082;
	[sflag:s4] =	ssyncset.s32 $0xFFFFF086  }
0x25: {  	[simem:s6], [sflag:s4] =	dma.local [hbm:s3], $0xF7A  }
0x26: {  	[smem:$0x3F95] =	sst s1;
	(tag) =	ssettag s2;
	_ =	strace s9  }
0x27: {  	s1 =	sld [smem:$0x3FA5]  }
0x28: {  	s2 =	sld [smem:$0x3FA6]  }
0x29: {  	s4 =	sld [smem:$0x3FA8]  }
0x2a: {  	p0 =	seq.s32 s5, $0x0;
	s5 =	sld [smem:$0x3FA9]  }
0x2b: {  	s6 =	sld [smem:$0x3FAA]  }
0x2c: {  	s7 =	sld [smem:$0x3FAB]  }
0x2d: {  	s3 =	simm.s32 $0x108;
	s8 =	sld [smem:$0x3FAC]  }
0x2e: {  	s3 =	simm.s32 @!p0 $0x1082;
	s9 =	sld [smem:$0x3FAD]  }
0x2f: {  	lr =	sadd.s32 s0, s3;
	s0 =	sld [smem:$0x3FA4]  }
0x30: {  	s3 =	sld [smem:$0x3FA7]  }
0x31: {  	[smem:$0x3FB0] =	sst s10  }
0x32: {  	s10 =	sld [smem:$0x3FAE];
	_ =	sdelay $0x3  }
0x33: {  	p0 =	seq.s32 s10, $0x1;
	s10 =	sld [smem:$0x3FB0];
	_ =	sdelay $0x3  }
0x34: {  	[smem:$0x3FB0] =	sst s10  }
0x35: {  	s10 =	sld [smem:$0x3FAF];
	_ =	sdelay $0x3  }
0x36: {  	p1 =	seq.s32 s10, $0x1;
	s10 =	sld [smem:$0x3FB0];
	_ =	sdelay $0x3  }
0x37: {  	[smem:$0x3FB0] =	sst s10  }
0x38: {  	s10 =	sld [smem:$0x3FB1]  }
0x39: {  	_ = 	snop;
	(pc) =	sbr.ind lr, $3  }
0x3a: {  	_ = 	snop  }
0x3b: {  	_ = 	snop  }
0x3c: {  	p2 =	seq.s32 s10, $0x1;
	s10 =	sld [smem:$0x3FB0]  }
0x3d: {  	_ =	shalt  }
0x3e: {  	_ =	shalt  }
0x3f: {  	_ =	shalt  }
0x40: {  	_ =	shalt  }
0x41: {  	_ =	shalt  }
0x42: {  	_ =	shalt  }
0x43: {  	_ =	shalt  }
0x44: {  	_ =	shalt  }
0x45: {  	_ =	shalt  }
0x46: {  	_ =	shalt  }
0x47: {  	_ =	shalt  }
0x48: {  	_ =	shalt  }
0x49: {  	_ =	shalt  }
0x4a: {  	_ =	shalt  }
0x4b: {  	_ =	shalt  }
0x4c: {  	_ =	shalt  }
0x4d: {  	_ =	shalt  }
0x4e: {  	_ =	shalt  }
0x4f: {  	_ =	shalt  }
0x50: {  	_ =	shalt  }
0x51: {  	_ =	shalt  }
0x52: {  	_ =	shalt  }
0x53: {  	_ =	shalt  }
0x54: {  	_ =	shalt  }
0x55: {  	_ =	shalt  }
0x56: {  	_ =	shalt  }
0x57: {  	_ =	shalt  }
0x58: {  	_ =	shalt  }
0x59: {  	_ =	shalt  }
0x5a: {  	_ =	shalt  }
0x5b: {  	_ =	shalt  }
0x5c: {  	_ =	shalt  }
0x5d: {  	_ =	shalt  }
0x5e: {  	_ =	shalt  }
0x5f: {  	_ =	shalt  }
0x60: {  	_ =	shalt  }
0x61: {  	_ =	shalt  }
0x62: {  	_ =	shalt  }
0x63: {  	_ =	shalt  }
0x64: {  	_ =	shalt  }
0x65: {  	_ =	shalt  }
0x66: {  	_ =	shalt  }
0x67: {  	_ =	shalt  }
0x68: {  	_ =	shalt  }
0x69: {  	_ =	shalt  }
0x6a: {  	_ =	shalt  }
0x6b: {  	_ =	shalt  }
0x6c: {  	_ =	shalt  }
0x6d: {  	_ =	shalt  }
0x6e: {  	_ =	shalt  }
0x6f: {  	_ =	shalt  }
0x70: {  	_ =	shalt  }
0x71: {  	_ =	shalt  }
0x72: {  	_ =	shalt  }
0x73: {  	_ =	shalt  }
0x74: {  	_ =	shalt  }
0x75: {  	_ =	shalt  }
0x76: {  	_ =	shalt  }
0x77: {  	_ =	shalt  }
0x78: {  	_ =	shalt  }
0x79: {  	_ =	shalt  }
0x7a: {  	_ =	shalt  }
0x7b: {  	_ =	shalt  }
0x7c: {  	_ =	shalt  }
0x7d: {  	_ =	shalt  }
0x7e: {  	_ =	shalt  }
0x7f: {  	_ =	shalt  }
0x80: {  	_ =	shalt  }
0x81: {  	_ =	shalt  }
0x82: {  	_ =	shalt  }
0x83: {  	_ =	shalt  }
0x84: {  	_ =	shalt  }
0x85: {  	_ =	shalt  }
0x86: {  	_ =	shalt  }
0x87: {  	_ =	shalt  }
.Lfunc_end0:
.L_simem_size_0:
called_computation.1_lowered:
.L_overlay_start_0:
0x88: {  	s2 =	sld [smem:$0x3FD9]  }
0x89: {  	s3 =	sld [smem:$0x3FFE];
	_ =	sdelay $0x1  }
0x8a: {  	s1 =	srdreg.scid  }
0x8b: {  	s0 =	sand.u32 $0x1, s1  }
0x8c: {  	s16 =	sshll.u32 s0, $0xA;
	s2 =	sadd.s32 s3, s2  }
0x8d: {  	s2 =	sadd.s32 s2, s16  }
0x8e: {  	[smem:$0x3FBC] =	sst s2  }
0x8f: {  	_ = 	snop  }
0x90: {  	(tm) =	ssettm $0x1  }
0x91: {  	s17 =	sld [smem:$0x3FFB];
	_ =	sdelay $0x3  }
0x92: {  	_ =	strace s17  }
0x93: {  	s2 =	sld [smem:$0x3FFC];
	_ =	sdelay $0x3  }
0x94: {  	_ =	strace s2  }
0x95: {  	s2 =	sld [smem:$0x3FFD];
	_ =	sdelay $0x3  }
0x96: {  	_ =	strace s2  }
0x97: {  	_ =	strace $0x8FFFFFFF  }
0x98: {  	s18 =	sld [smem:$0x3FDB];
	_ =	sdelay $0x1  }
0x99: {  	s19 =	simm.s32 $_scs_section_size  }
0x9a: {  	s4 =	simm.s32 $_size__tile_overlayer_lowered;
	s5 =	simm.s32 $_tile_overlayer_lowered  }
0x9b: {  	s22 =	simm.s32 $0x1BFF;
	s21 =	sshll.u32 s5, $0x1;
	s2 =	sadd.s32 s19, s18  }
0x9c: {  	s6 =	simm.s32 $0x0;
	s20 =	sshll.u32 s4, $0x1;
	s4 =	sadd.s32 s21, s2  }
0x9d: {  	[timem:s6], [sflag:s22] =	dma.local [hbm:s4], s20  }
0x9e: {  	_ =	swait.ge [sflag:s22], s20  }
0x9f: {  	s3 =	ssub.s32 $0x0, s20;
	[sflag:s22] =	ssyncset.done $0x0  }
0xa0: {  	[sflag:s22] =	ssyncadd.s32 s3;
	_ =	sdelay $0x1  }
0xa1: {  	s23 =	simm.s32 $0x1B8B  }
0xa2: {  	_ =	swait.ge [sflag:s23], $0x1  }
0xa3: {  	[sflag:s23] =	ssyncset.done $0x0  }
0xa4: {  	s25 =	simm.s32 $0x1B8E;
	s24 =	sld [smem:$0x3FFE];
	[sflag:s23] =	ssyncadd.s32 $0xFFFFFFFF  }
0xa5: {  	s26 =	simm.s32 $execute0_lowered;
	[smem:$0x3FD2] =	sst s25  }
0xa6: {  	s4 =	sshll.u32 s26, $0x1;
	_ =	strace $0x80000049;
	[dreg:$0x1] =	wrdreg $0xFFFFFFFF  }
0xa7: {  	s28 =	simm.s32 $_size_execute0_lowered;
	s2 =	sadd.s32 s2, s4;
	[dreg:$0x0] =	wrdreg $0x0  }
0xa8: {  	s4 =	sshll.u32 s28, $0x1;
	[dreg:$0x2] =	wrdreg s2  }
0xa9: {  	[dreg:$0x3] =	wrdreg s4  }
0xaa: {  	[dreg:$0x4] =	wrdreg $0xC0  }
0xab: {  	_ =	task [dreg:s6], $0x5FFFF  }
0xac: {  	[dreg:$0x1] =	wrdreg $0xFFFFFFFF  }
0xad: {  	[dreg:$0x0] =	wrdreg $0x60  }
0xae: {  	[dreg:$0x2] =	wrdreg s24  }
0xaf: {  	[dreg:$0x3] =	wrdreg $0xA9000  }
0xb0: {  	[dreg:$0x4] =	wrdreg $0x9  }
0xb1: {  	_ =	task.clear_ibuf [dreg:s6], $0x5FFFF;
	_ =	strace $0x90000049  }
0xb2: {  	s29 =	simm.s32 $0x9;
	_ =	strace $0x8000004B  }
0xb3: {  	_ =	swait.ge [sflag:s29], $0x1  }
0xb4: {  	[sflag:s29] =	ssyncadd.s32 $0xFFFFFFFF  }
0xb5: {  	_ =	strace $0x9000004B  }
0xb6: {  	_ =	sfence  }
0xb7: {  	s30 =	sld [smem:$0x0];
	_ =	sdelay $0x2  }
0xb8: {  	s31 =	sshll.u32 s1, $0xD;
	s1 =	sshrl.u32 s1, $0x2  }
0xb9: {  	s3 =	sand.u32 $0x4000, s31;
	s1 =	sadd.s32 s1, s30  }
0xba: {  	s0 =	sor.u32 s3, s0;
	s1 =	sshll.u32 s1, $0x11  }
0xbb: {  	s0 =	sor.u32 s1, s0  }
0xbc: {  	s0 =	sadd.s32 $0x8F2B, s0  }
0xbd: {  	[sflag:s0] =	ssyncadd.remote.s32 $0x1  }
0xbe: {  	_ =	sfence.sel $0xFFFF  }
0xbf: {  	[dreg:$0x0] =	wrdreg $0xFFFFFFFF;
	(pc) =	sbr.abs _section_cstart, $3  }
0xc0: {  	[dreg:$0x1] =	wrdreg $0xFFFFFFFF  }
0xc1: {  	_ =	task.clear_ibuf [dreg:s6], $0x2FFFF;
	_ =	strace $0x9FFFFFFF  }
0xc2: {  	(tm) =	ssettm $0x7FFFFFFF  }
0xc3: {  	_ =	shalt  }
tec
execute0_lowered:
.L_overlay_start_1:
0x0: {  	(tag) =	ssettag $0x1  }
0x1: {  	s10 =	rddreg [dreg:$0x0]  }
0x2: {  	s1 =	rddreg [dreg:$0x1];
	s2 =	srdreg.scid  }
0x3: {  	s3 =	simm.s32 $0x0;
	s0 =	stileid.u32;
	s18 =	simm.s32 $0x2900  }
0x4: {  	s19 =	simm.s32 $0x2880;
	s20 =	simm.s32 $0x2;
	s21 =	simm.s32 $0x6900  }
0x5: {  	s22 =	simm.s32 $0x3;
	s23 =	simm.s32 $0x4;
	s24 =	simm.s32 $0x1  }
0x6: {  	s25 =	simm.s32 $0x2700;
	s26 =	simm.s32 $0x2780;
	s28 =	simm.s32 $0x0  }
0x7: {  	s14 =	sand.u32 $0x1, s2;
	[smem:$0x7FF] =	sst s3;
	s8 =	smul.u32 $0x14000, s0  }
0x8: {  	s4 =	sadd.s32 $0x6B000, s10;
	s5 =	sadd.s32 $0x61000, s10;
	s11 =	smul.u32 $0x50000, s0  }
0x9: {  	s6 =	sadd.s32 $0x4800, s10;
	s13 =	sshll.u32 s0, $0x6;
	s15 =	smul.u32 $0xA00, s0  }
0xa: {  	s7 =	smul.u32 $0x140000, s14;
	_ =	strace $0x8000004A;
	s9 =	ssub.s32 $0x2, s14  }
0xb: {  	p0 =	sne.s32 s14, $0x0;
	s30 =	sshrl.u32 s9, $0x1;
	s11 =	sshrl.u32 s11, $0x2  }
0xc: {  	s31 =	sadd.s32 s15, s5;
	s15 =	simm.s32 $0x5;
	s7 =	sadd.s32 s8, s7  }
.Ltmp0:
0xd: {  	s16 =	ssub.s32 s9, s30;
	s17 =	sadd.s32 s11, s1;
	(pc) =	sbr.rel .LBB2_1-.Ltmp0, $4  }
0xe: {  	s9 =	smul.u32 $0xA0, s0;
	s8 =	sshrl.u32 s7, $0x3;
	s7 =	sadd.s32 $0x5E800, s10  }
0xf: {  	s14 =	sshrl.u32 s17, $0x3;
	s17 =	simm.s32 $0x80;
	s12 =	sadd.s32 s8, s10  }
0x10: {  	s8 =	sor.u32 $0x1C05, s13;
	s10 =	sadd.s32 $0x61010, s10;
	s13 =	sadd.s32 $0x30, s31  }
0x11: {  	s11 =	sadd.s32 $0x93000, s12;
	s12 =	smax.u32 s16, $0x1;
	s16 =	simm.s32 $0x2800  }
.LBB2_5:
0x12: {  	s28 =	sadd.s32 $0x1, s28  }
0x13: {  	p1 =	sne.s32 s28, s12  }
.Ltmp1:
0x14: {  	[bflag:$0x0] =	sbarrier.arrive $0xFFFF;
	(pc) =	sbr.rel @!p1 .LBB2_6-.Ltmp1, $4  }
0x15: {  	[hbm:s11], [sflag:s8] =	dma.local [spmem:s14], $0x2800  }
0x16: {  	_ =	swait.ge [sflag:s15], $0x2800  }
0x17: {  	[sflag:s15] =	ssyncset.done $0x0  }
0x18: {  	[sflag:s15] =	ssyncadd.s32 $0xFFFFD800  }
.LBB2_1:
0x19: {  	[spmem:s14], [sflag:s8] =	dma.local [hbm:s7], $0x2800  }
.Ltmp2:
0x1a: {  	_ =	swait.ge [sflag:s15], $0x2800;
	(pc) =	sbr.rel @p0 .LBB2_5-.Ltmp2, $4  }
0x1b: {  	[sflag:s15] =	ssyncset.done $0x0  }
0x1c: {  	[sflag:s15] =	ssyncadd.s32 $0xFFFFD800  }
0x1d: {  	[bflag:$0x0] =	sbarrier.arrive $0xFFFF  }
0x1e: {  	p2 =	por $0x1, $0x1;
	s29 =	simm.s32 $0x0  }
.LBB2_2:
0x1f: {  	s30 =	sadd.s32 s9, s29  }
0x20: {  	s30 =	sshll.u32 s30, $0x4  }
0x21: {  	s0 =	simm.s32 $0x0;
	s31 =	sadd.s32 s6, s30  }
0x22: {  	[tilespmem:s0], [sflag:$0x5] =	stream.linear.gather [hbm4b:s31+s0], $0x2800, $0x38;
	[tilespmem:$0x1E900] =	vst v63  }
0x23: {  	_ =	swait.ge [sflag:s15], $0x2800  }
0x24: {  	[sflag:s15] =	ssyncset.done $0x0  }
0x25: {  	s31 =	sadd.s32 s5, s30;
	[sflag:s15] =	ssyncadd.s32 $0xFFFFD800  }
0x26: {  	[tilespmem:s16], [sflag:$0x5] =	stream.linear.gather [hbm4b:s31+s0], $0x80, $0x38;
	[tilespmem:$0x1E900] =	vst v63  }
0x27: {  	_ =	swait.ge [sflag:s15], $0x80  }
0x28: {  	[sflag:s15] =	ssyncset.done $0x0  }
0x29: {  	[sflag:s15] =	ssyncadd.s32 $0xFFFFFF80  }
0x2a: {  	[tilespmem:s18], [sflag:$0x3] =	stream.indirect.gather [hbm4b:s4+s17], $0x80, s16, s17, $0xb8;
	[tilespmem:$0x1E900] =	vst v63  }
0x2b: {  	s30 =	sadd.s32 s30, s10  }
0x2c: {  	[tilespmem:s19], [sflag:$0x2] =	stream.linear.gather [hbm4b:s30+s0], $0x80, $0x38;
	[tilespmem:$0x1E900] =	vst v63  }
0x2d: {  	_ =	swait.ge [sflag:s20], $0x80  }
0x2e: {  	[sflag:s20] =	ssyncset.done $0x0  }
0x2f: {  	[sflag:s20] =	ssyncadd.s32 $0xFFFFFF80  }
0x30: {  	[tilespmem:s21], [sflag:$0x4] =	stream.indirect.gather [hbm4b:s4+s17], $0x80, s19, s17, $0xb8;
	[tilespmem:$0x1E900] =	vst v63  }
0x31: {  	_ =	swait.ge [sflag:s22], $0x4000  }
0x32: {  	[sflag:s22] =	ssyncset.done $0x0  }
0x33: {  	s2 =	simm.s32 $0x0;
	[sflag:s22] =	ssyncadd.s32 $0xFFFFC000  }
0x34: {  	[spmem:s1] =	stream.indirect.scatter.add.f32 [tilespmem:s18], [sflag:$0x5], $0x80, s2, s17, $0xb8;
	[tilespmem:$0x1E900] =	vst v63  }
0x35: {  	s2 =	sshll.u32 s29, $0x4;
	_ =	swait.ge [sflag:s15], $0x4000  }
0x36: {  	s29 =	sadd.s32 s2, s13;
	[sflag:s15] =	ssyncset.done $0x0  }
0x37: {  	s0 =	sadd.s32 $0xFFFFFFF0, s29;
	[sflag:s15] =	ssyncadd.s32 $0xFFFFC000  }
0x38: {  	[tilespmem:s16], [sflag:$0x1] =	stream.linear.gather [hbm4b:s0+s3], $0x80, $0x38;
	[tilespmem:$0x1E900] =	vst v63  }
0x39: {  	_ =	swait.ge [sflag:s23], $0x4000  }
0x3a: {  	[sflag:s23] =	ssyncset.done $0x0  }
0x3b: {  	s2 =	simm.s32 $0x80;
	[sflag:s23] =	ssyncadd.s32 $0xFFFFC000  }
0x3c: {  	[spmem:s1] =	stream.indirect.scatter.add.f32 [tilespmem:s21], [sflag:$0x5], $0x80, s2, s17, $0xb8;
	[tilespmem:$0x1E900] =	vst v63  }
0x3d: {  	_ =	swait.ge [sflag:s15], $0x4000  }
0x3e: {  	[sflag:s15] =	ssyncset.done $0x0  }
0x3f: {  	[sflag:s15] =	ssyncadd.s32 $0xFFFFC000  }
0x40: {  	_ =	swait.ge [sflag:s24], $0x80  }
0x41: {  	p1 =	por p2, p2;
	[sflag:s24] =	ssyncset.done $0x0  }
0x42: {  	s30 =	simm.s32 $0x400;
	s31 =	sadd.s32 $0x20, s29;
	[sflag:s24] =	ssyncadd.s32 $0xFFFFFF80  }
0x43: {  	[tilespmem:s18], [sflag:$0x3] =	stream.indirect.gather [hbm4b:s4+s17], $0x80, s16, s17, $0xb8;
	[tilespmem:$0x1E900] =	vst v63  }
.LBB2_3:
0x44: {  	[tilespmem:s19], [sflag:$0x2] =	stream.linear.gather [hbm4b:s29+s3], $0x80, $0x38;
	[tilespmem:$0x1E900] =	vst v63  }
0x45: {  	s0 =	smov.u32 s30;
	s29 =	smov.u32 s31  }
0x46: {  	p2 =	sne.s32 s30, $0x9800;
	s30 =	sadd.s32 $0x400, s30;
	_ =	swait.ge [sflag:s20], $0x80  }
0x47: {  	[sflag:s20] =	ssyncset.done $0x0  }
0x48: {  	[sflag:s20] =	ssyncadd.s32 $0xFFFFFF80  }
0x49: {  	[tilespmem:s21], [sflag:$0x4] =	stream.indirect.gather [hbm4b:s4+s17], $0x80, s19, s17, $0xb8;
	[tilespmem:$0x1E900] =	vst v63  }
0x4a: {  	_ =	swait.ge [sflag:s22], $0x4000  }
0x4b: {  	[sflag:s22] =	ssyncset.done $0x0  }
0x4c: {  	s0 =	sshra.s32 s0, $0x2;
	[sflag:s22] =	ssyncadd.s32 $0xFFFFC000  }
0x4d: {  	[spmem:s1] =	stream.indirect.scatter.add.f32 [tilespmem:s18], [sflag:$0x5], $0x80, s0, s17, $0xb8;
	[tilespmem:$0x1E900] =	vst v63  }
0x4e: {  	_ =	swait.ge [sflag:s15], $0x4000  }
0x4f: {  	[sflag:s15] =	ssyncset.done $0x0  }
0x50: {  	s2 =	sadd.s32 $0xFFFFFFF0, s31;
	[sflag:s15] =	ssyncadd.s32 $0xFFFFC000  }
0x51: {  	[tilespmem:s16], [sflag:$0x1] =	stream.linear.gather [hbm4b:s2+s3], $0x80, $0x38;
	[tilespmem:$0x1E900] =	vst v63  }
0x52: {  	_ =	swait.ge [sflag:s23], $0x4000  }
0x53: {  	[sflag:s23] =	ssyncset.done $0x0  }
0x54: {  	s0 =	sadd.s32 $0x80, s0;
	[sflag:s23] =	ssyncadd.s32 $0xFFFFC000  }
0x55: {  	[spmem:s1] =	stream.indirect.scatter.add.f32 [tilespmem:s21], [sflag:$0x5], $0x80, s0, s17, $0xb8;
	[tilespmem:$0x1E900] =	vst v63  }
0x56: {  	_ =	swait.ge [sflag:s15], $0x4000  }
0x57: {  	[sflag:s15] =	ssyncset.done $0x0  }
0x58: {  	[sflag:s15] =	ssyncadd.s32 $0xFFFFC000  }
.Ltmp3:
0x59: {  	_ =	swait.ge [sflag:s24], $0x80;
	(pc) =	sbr.rel @p2 .LBB2_3-.Ltmp3, $4  }
0x5a: {  	[sflag:s24] =	ssyncset.done $0x0  }
0x5b: {  	[sflag:s24] =	ssyncadd.s32 $0xFFFFFF80  }
0x5c: {  	[tilespmem:s18], [sflag:$0x3] =	stream.indirect.gather [hbm4b:s4+s17], $0x80, s16, s17, $0xb8;
	[tilespmem:$0x1E900] =	vst v63  }
0x5d: {  	s31 =	sadd.s32 $0x20, s31  }
0x5e: {  	[tilespmem:s19], [sflag:$0x2] =	stream.linear.gather [hbm4b:s29+s3], $0x80, $0x38;
	[tilespmem:$0x1E900] =	vst v63  }
0x5f: {  	_ =	swait.ge [sflag:s20], $0x80  }
0x60: {  	[sflag:s20] =	ssyncset.done $0x0  }
0x61: {  	[sflag:s20] =	ssyncadd.s32 $0xFFFFFF80  }
0x62: {  	[tilespmem:s21], [sflag:$0x4] =	stream.indirect.gather [hbm4b:s4+s17], $0x80, s19, s17, $0xb8;
	[tilespmem:$0x1E900] =	vst v63  }
0x63: {  	_ =	swait.ge [sflag:s22], $0x4000  }
0x64: {  	[sflag:s22] =	ssyncset.done $0x0  }
0x65: {  	[sflag:s22] =	ssyncadd.s32 $0xFFFFC000  }
0x66: {  	[spmem:s1] =	stream.indirect.scatter.add.f32 [tilespmem:s18], [sflag:$0x5], $0x80, s25, s17, $0xb8;
	[tilespmem:$0x1E900] =	vst v63  }
0x67: {  	_ =	swait.ge [sflag:s15], $0x4000  }
0x68: {  	[sflag:s15] =	ssyncset.done $0x0  }
0x69: {  	[sflag:s15] =	ssyncadd.s32 $0xFFFFC000  }
0x6a: {  	_ =	swait.ge [sflag:s23], $0x4000  }
0x6b: {  	[sflag:s23] =	ssyncset.done $0x0  }
0x6c: {  	[sflag:s23] =	ssyncadd.s32 $0xFFFFC000  }
0x6d: {  	[spmem:s1] =	stream.indirect.scatter.add.f32 [tilespmem:s21], [sflag:$0x5], $0x80, s26, s17, $0xb8;
	[tilespmem:$0x1E900] =	vst v63  }
.Ltmp4:
0x6e: {  	_ = 	snop;
	(pc) =	sbr.rel @p1 .LBB2_2-.Ltmp4, $4  }
.Ltmp5:
0x6f: {  	_ = 	snop;
	(pc) =	sbr.rel @!p1 .LBB2_5-.Ltmp5, $4  }
0x70: {  	_ =	swait.ge [sflag:s15], $0x4000  }
0x71: {  	[sflag:s15] =	ssyncset.done $0x0  }
0x72: {  	s29 =	simm.s32 $0x50;
	p2 =	por $0x0, $0x0;
	[sflag:s15] =	ssyncadd.s32 $0xFFFFC000  }
0x73: {  	_ = 	snop  }
.LBB2_6:
0x74: {  	_ =	sfence.sel $0x180000  }
0x75: {  	[bflag:$0x0] =	sbarrier.arrive $0xFFFF  }
0x76: {  	_ =	strace $0x9000004A  }
0x77: {  	s0 =	stileid.u32;
	[bflag:$0x2] =	sbarrier.arrive $0xFFFF  }
0x78: {  	p0 =	sne.s32 s0, $0x0;
	s0 =	rddreg [dreg:$0x2]  }
0x79: {  	s0 =	sadd.s32 @!p0 $0x100000, s0  }
0x7a: {  	[sflag:s0] =	ssyncadd.tile.s32 @!p0 $0x1;
	_ =	shalt  }
.Lfunc_end2:
_tile_overlayer_lowered:
.L_overlay_start_2:
0x7b: {  	(tag) =	ssettag $0x2  }
0x7c: {  	s0 =	rddreg [dreg:$0x0];
	s2 =	stileid.u32  }
0x7d: {  	s1 =	rddreg [dreg:$0x1];
	p0 =	sne.s32 s2, $0x0  }
0x7e: {  	s3 =	rddreg [dreg:$0x2];
	[bflag:$0x3] =	sbarrier.arrive $0xFFFF;
	s2 =	simm.s32 @!p0 $0x1C05  }
0x7f: {  	[timem:s3], [sflag:s2] =	dma.local @!p0 [hbm:s0], s1  }
0x80: {  	s0 =	simm.s32 @!p0 $0x5  }
0x81: {  	_ =	swait.ge @!p0 [sflag:s0], s1  }
0x82: {  	s1 =	ssub.s32 @!p0 $0x0, s1;
	[sflag:s0] =	ssyncset.done @!p0 $0x0  }
0x83: {  	[sflag:s0] =	ssyncadd.s32 @!p0 s1  }
0x84: {  	[bflag:$0x3] =	sbarrier.arrive $0xFFFF  }
0x85: {  	_ =	shalt  }

// kernel: kernel.15.cloned.1.call-start
scs
__scs_entry_jumppad:
0x0: {  	(pc) =	sbr.rel $0x88, $3  }
0x1: {  	(tag) =	ssettag $0x0;
	lr =	simm.s32 $0x1  }
0x2: {  	[smem:$0x3F95] =	sst lr;
	_ =	strace $0xD0000000  }
0x3: {  	_ = 	snop  }
0x4: {  	_ = 	snop  }
0x5: {  	_ = 	snop  }
0x6: {  	_ = 	snop  }
0x7: {  	_ = 	snop  }
__scs_overlays_trampoline_lowered:
0x8: {  	[smem:$0x3FA4] =	sst s0  }
0x9: {  	[smem:$0x3FA5] =	sst s1  }
0xa: {  	[smem:$0x3FA6] =	sst s2  }
0xb: {  	[smem:$0x3FA7] =	sst s3  }
0xc: {  	[smem:$0x3FA8] =	sst s4  }
0xd: {  	[smem:$0x3FA9] =	sst s5  }
0xe: {  	[smem:$0x3FAA] =	sst s6  }
0xf: {  	[smem:$0x3FAB] =	sst s7  }
0x10: {  	[smem:$0x3FAC] =	sst s8  }
0x11: {  	[smem:$0x3FAD] =	sst s9;
	s0 =	simm.s32 @!p0 $0x0  }
0x12: {  	s1 =	sld [smem:$0x3F93];
	s0 =	simm.s32 @p0 $0x1  }
0x13: {  	[smem:$0x3FAE] =	sst s0;
	s0 =	simm.s32 @!p1 $0x0  }
0x14: {  	s2 =	sld [smem:$0x3F92];
	s0 =	simm.s32 @p1 $0x1  }
0x15: {  	[smem:$0x3FAF] =	sst s0;
	s0 =	simm.s32 @!p2 $0x0  }
0x16: {  	s3 =	sld [smem:$0x3FDB];
	s0 =	simm.s32 @p2 $0x1  }
0x17: {  	s4 =	simm.s32 $0x1BF5;
	[smem:$0x3FB1] =	sst s0  }
0x18: {  	s0 =	sld [smem:$0x3F94];
	_ =	swait.ge [sflag:s4], $0x0  }
0x19: {  	s7 =	sld [smem:$0x3F95]  }
0x1a: {  	s8 =	sadd.s32 $0xFFFFE003, lr  }
0x1b: {  	s9 =	sadd.s32 $0xFFFFFEF7, lr;
	s5 =	simm.s32 $0xFFFFFFFF;
	p2 =	slt.u32 s8, $0xFFFFF086  }
0x1c: {  	p1 =	slt.u32 s9, $0xF7A;
	s5 =	simm.s32 @!p2 $0x0  }
0x1d: {  	s5 =	simm.s32 @p1 $0x1;
	p0 =	seq.s32 s7, s2  }
0x1e: {  	s7 =	smul.u32 @!p0 $0xF7A, s2;
	p2 =	seq.s32 @!p0 s5, $0x0  }
0x1f: {  	s9 =	smul.u32 $0xF7A, s1;
	s8 =	simm.s32 @!p0 $0x1BF5;
	p2 =	por !p2, p0  }
0x20: {  	[sflag:s8] =	ssyncset.s32 @!p0 $0xFFFFF086;
	s6 =	sadd.s32 @!p0 s3, s7;
	s7 =	simm.s32 @!p0 $0x108  }
0x21: {  	s3 =	sadd.s32 s3, s9;
	s6 =	sadd.s32 @!p0 $0x88, s6;
	s7 =	simm.s32 @p2 $0x1082  }
0x22: {  	[simem:s7], [sflag:s8] =	dma.local @!p0 [hbm:s6], $0xF7A  }
0x23: {  	s9 =	sor.u32 $0xD0000000, s2;
	s6 =	simm.s32 $0x108;
	_ =	swait.ge @!p0 [sflag:s8], $0x0  }
0x24: {  	s3 =	sadd.s32 $0x88, s3;
	s6 =	simm.s32 @!p1 $0x1082;
	[sflag:s4] =	ssyncset.s32 $0xFFFFF086  }
0x25: {  	[simem:s6], [sflag:s4] =	dma.local [hbm:s3], $0xF7A  }
0x26: {  	[smem:$0x3F95] =	sst s1;
	(tag) =	ssettag s2;
	_ =	strace s9  }
0x27: {  	s1 =	sld [smem:$0x3FA5]  }
0x28: {  	s2 =	sld [smem:$0x3FA6]  }
0x29: {  	s4 =	sld [smem:$0x3FA8]  }
0x2a: {  	p0 =	seq.s32 s5, $0x0;
	s5 =	sld [smem:$0x3FA9]  }
0x2b: {  	s6 =	sld [smem:$0x3FAA]  }
0x2c: {  	s7 =	sld [smem:$0x3FAB]  }
0x2d: {  	s3 =	simm.s32 $0x108;
	s8 =	sld [smem:$0x3FAC]  }
0x2e: {  	s3 =	simm.s32 @!p0 $0x1082;
	s9 =	sld [smem:$0x3FAD]  }
0x2f: {  	lr =	sadd.s32 s0, s3;
	s0 =	sld [smem:$0x3FA4]  }
0x30: {  	s3 =	sld [smem:$0x3FA7]  }
0x31: {  	[smem:$0x3FB0] =	sst s10  }
0x32: {  	s10 =	sld [smem:$0x3FAE];
	_ =	sdelay $0x3  }
0x33: {  	p0 =	seq.s32 s10, $0x1;
	s10 =	sld [smem:$0x3FB0];
	_ =	sdelay $0x3  }
0x34: {  	[smem:$0x3FB0] =	sst s10  }
0x35: {  	s10 =	sld [smem:$0x3FAF];
	_ =	sdelay $0x3  }
0x36: {  	p1 =	seq.s32 s10, $0x1;
	s10 =	sld [smem:$0x3FB0];
	_ =	sdelay $0x3  }
0x37: {  	[smem:$0x3FB0] =	sst s10  }
0x38: {  	s10 =	sld [smem:$0x3FB1]  }
0x39: {  	_ = 	snop;
	(pc) =	sbr.ind lr, $3  }
0x3a: {  	_ = 	snop  }
0x3b: {  	_ = 	snop  }
0x3c: {  	p2 =	seq.s32 s10, $0x1;
	s10 =	sld [smem:$0x3FB0]  }
0x3d: {  	_ =	shalt  }
0x3e: {  	_ =	shalt  }
0x3f: {  	_ =	shalt  }
0x40: {  	_ =	shalt  }
0x41: {  	_ =	shalt  }
0x42: {  	_ =	shalt  }
0x43: {  	_ =	shalt  }
0x44: {  	_ =	shalt  }
0x45: {  	_ =	shalt  }
0x46: {  	_ =	shalt  }
0x47: {  	_ =	shalt  }
0x48: {  	_ =	shalt  }
0x49: {  	_ =	shalt  }
0x4a: {  	_ =	shalt  }
0x4b: {  	_ =	shalt  }
0x4c: {  	_ =	shalt  }
0x4d: {  	_ =	shalt  }
0x4e: {  	_ =	shalt  }
0x4f: {  	_ =	shalt  }
0x50: {  	_ =	shalt  }
0x51: {  	_ =	shalt  }
0x52: {  	_ =	shalt  }
0x53: {  	_ =	shalt  }
0x54: {  	_ =	shalt  }
0x55: {  	_ =	shalt  }
0x56: {  	_ =	shalt  }
0x57: {  	_ =	shalt  }
0x58: {  	_ =	shalt  }
0x59: {  	_ =	shalt  }
0x5a: {  	_ =	shalt  }
0x5b: {  	_ =	shalt  }
0x5c: {  	_ =	shalt  }
0x5d: {  	_ =	shalt  }
0x5e: {  	_ =	shalt  }
0x5f: {  	_ =	shalt  }
0x60: {  	_ =	shalt  }
0x61: {  	_ =	shalt  }
0x62: {  	_ =	shalt  }
0x63: {  	_ =	shalt  }
0x64: {  	_ =	shalt  }
0x65: {  	_ =	shalt  }
0x66: {  	_ =	shalt  }
0x67: {  	_ =	shalt  }
0x68: {  	_ =	shalt  }
0x69: {  	_ =	shalt  }
0x6a: {  	_ =	shalt  }
0x6b: {  	_ =	shalt  }
0x6c: {  	_ =	shalt  }
0x6d: {  	_ =	shalt  }
0x6e: {  	_ =	shalt  }
0x6f: {  	_ =	shalt  }
0x70: {  	_ =	shalt  }
0x71: {  	_ =	shalt  }
0x72: {  	_ =	shalt  }
0x73: {  	_ =	shalt  }
0x74: {  	_ =	shalt  }
0x75: {  	_ =	shalt  }
0x76: {  	_ =	shalt  }
0x77: {  	_ =	shalt  }
0x78: {  	_ =	shalt  }
0x79: {  	_ =	shalt  }
0x7a: {  	_ =	shalt  }
0x7b: {  	_ =	shalt  }
0x7c: {  	_ =	shalt  }
0x7d: {  	_ =	shalt  }
0x7e: {  	_ =	shalt  }
0x7f: {  	_ =	shalt  }
0x80: {  	_ =	shalt  }
0x81: {  	_ =	shalt  }
0x82: {  	_ =	shalt  }
0x83: {  	_ =	shalt  }
0x84: {  	_ =	shalt  }
0x85: {  	_ =	shalt  }
0x86: {  	_ =	shalt  }
0x87: {  	_ =	shalt  }
.Lfunc_end0:
.L_simem_size_0:
called_computation.2_lowered:
.L_overlay_start_0:
0x88: {  	s2 =	sld [smem:$0x3FD9]  }
0x89: {  	s3 =	sld [smem:$0x3FFE];
	_ =	sdelay $0x1  }
0x8a: {  	s1 =	srdreg.scid  }
0x8b: {  	s0 =	sand.u32 $0x1, s1  }
0x8c: {  	s16 =	sshll.u32 s0, $0xA;
	s2 =	sadd.s32 s3, s2  }
0x8d: {  	s2 =	sadd.s32 s2, s16  }
0x8e: {  	[smem:$0x3FBC] =	sst s2  }
0x8f: {  	_ = 	snop  }
0x90: {  	(tm) =	ssettm $0x1  }
0x91: {  	s17 =	sld [smem:$0x3FFB];
	_ =	sdelay $0x3  }
0x92: {  	_ =	strace s17  }
0x93: {  	s2 =	sld [smem:$0x3FFC];
	_ =	sdelay $0x3  }
0x94: {  	_ =	strace s2  }
0x95: {  	s2 =	sld [smem:$0x3FFD];
	_ =	sdelay $0x3  }
0x96: {  	_ =	strace s2  }
0x97: {  	_ =	strace $0x8FFFFFFF  }
0x98: {  	s18 =	sld [smem:$0x3FDB];
	_ =	sdelay $0x1  }
0x99: {  	s19 =	simm.s32 $_scs_section_size  }
0x9a: {  	s4 =	simm.s32 $_size__tile_overlayer_lowered;
	s5 =	simm.s32 $_tile_overlayer_lowered  }
0x9b: {  	s22 =	simm.s32 $0x1BFF;
	s21 =	sshll.u32 s5, $0x1;
	s2 =	sadd.s32 s19, s18  }
0x9c: {  	s6 =	simm.s32 $0x0;
	s20 =	sshll.u32 s4, $0x1;
	s4 =	sadd.s32 s21, s2  }
0x9d: {  	[timem:s6], [sflag:s22] =	dma.local [hbm:s4], s20  }
0x9e: {  	_ =	swait.ge [sflag:s22], s20  }
0x9f: {  	s3 =	ssub.s32 $0x0, s20;
	[sflag:s22] =	ssyncset.done $0x0  }
0xa0: {  	[sflag:s22] =	ssyncadd.s32 s3;
	_ =	sdelay $0x1  }
0xa1: {  	s23 =	simm.s32 $0x1B8B  }
0xa2: {  	_ =	swait.ge [sflag:s23], $0x1  }
0xa3: {  	[sflag:s23] =	ssyncset.done $0x0  }
0xa4: {  	s25 =	simm.s32 $0x1B8E;
	s24 =	sld [smem:$0x3FFE];
	[sflag:s23] =	ssyncadd.s32 $0xFFFFFFFF  }
0xa5: {  	s26 =	simm.s32 $execute0_lowered;
	[smem:$0x3FD2] =	sst s25  }
0xa6: {  	s4 =	sshll.u32 s26, $0x1;
	_ =	strace $0x8000004C;
	[dreg:$0x1] =	wrdreg $0xFFFFFFFF  }
0xa7: {  	s28 =	simm.s32 $_size_execute0_lowered;
	s2 =	sadd.s32 s2, s4;
	[dreg:$0x0] =	wrdreg $0x0  }
0xa8: {  	s4 =	sshll.u32 s28, $0x1;
	[dreg:$0x2] =	wrdreg s2  }
0xa9: {  	[dreg:$0x3] =	wrdreg s4  }
0xaa: {  	[dreg:$0x4] =	wrdreg $0xC0  }
0xab: {  	_ =	task [dreg:s6], $0x5FFFF  }
0xac: {  	[dreg:$0x1] =	wrdreg $0xFFFFFFFF  }
0xad: {  	[dreg:$0x0] =	wrdreg $0x60  }
0xae: {  	[dreg:$0x2] =	wrdreg s24  }
0xaf: {  	[dreg:$0x3] =	wrdreg $0xA9000  }
0xb0: {  	[dreg:$0x4] =	wrdreg $0x9  }
0xb1: {  	_ =	task.clear_ibuf [dreg:s6], $0x5FFFF;
	_ =	strace $0x9000004C  }
0xb2: {  	s29 =	simm.s32 $0x9;
	_ =	strace $0x8000004E  }
0xb3: {  	_ =	swait.ge [sflag:s29], $0x1  }
0xb4: {  	[sflag:s29] =	ssyncadd.s32 $0xFFFFFFFF  }
0xb5: {  	_ =	strace $0x9000004E  }
0xb6: {  	_ =	sfence  }
0xb7: {  	s30 =	sld [smem:$0x0];
	_ =	sdelay $0x2  }
0xb8: {  	s31 =	sshll.u32 s1, $0xD;
	s1 =	sshrl.u32 s1, $0x2  }
0xb9: {  	s3 =	sand.u32 $0x4000, s31;
	s1 =	sadd.s32 s1, s30  }
0xba: {  	s0 =	sor.u32 s3, s0;
	s1 =	sshll.u32 s1, $0x11  }
0xbb: {  	s0 =	sor.u32 s1, s0  }
0xbc: {  	s0 =	sadd.s32 $0x8F2B, s0  }
0xbd: {  	[sflag:s0] =	ssyncadd.remote.s32 $0x1  }
0xbe: {  	_ =	sfence.sel $0xFFFF  }
0xbf: {  	[dreg:$0x0] =	wrdreg $0xFFFFFFFF;
	(pc) =	sbr.abs _section_cstart, $3  }
0xc0: {  	[dreg:$0x1] =	wrdreg $0xFFFFFFFF  }
0xc1: {  	_ =	task.clear_ibuf [dreg:s6], $0x2FFFF;
	_ =	strace $0x9FFFFFFF  }
0xc2: {  	(tm) =	ssettm $0x7FFFFFFF  }
0xc3: {  	_ =	shalt  }
tec
execute0_lowered:
.L_overlay_start_1:
0x0: {  	(tag) =	ssettag $0x1  }
0x1: {  	s10 =	rddreg [dreg:$0x0]  }
0x2: {  	s1 =	rddreg [dreg:$0x1];
	s2 =	srdreg.scid  }
0x3: {  	s3 =	simm.s32 $0x0;
	s0 =	stileid.u32;
	s18 =	simm.s32 $0x2900  }
0x4: {  	s19 =	simm.s32 $0x2880;
	s20 =	simm.s32 $0x2;
	s21 =	simm.s32 $0x6900  }
0x5: {  	s22 =	simm.s32 $0x3;
	s23 =	simm.s32 $0x4;
	s24 =	simm.s32 $0x1  }
0x6: {  	s25 =	simm.s32 $0x2700;
	s26 =	simm.s32 $0x2780;
	s28 =	simm.s32 $0x0  }
0x7: {  	s14 =	sand.u32 $0x1, s2;
	[smem:$0x7FF] =	sst s3;
	s8 =	smul.u32 $0x14000, s0  }
0x8: {  	s4 =	sadd.s32 $0x6B000, s10;
	s5 =	sadd.s32 $0x61000, s10;
	s11 =	smul.u32 $0x50000, s0  }
0x9: {  	s6 =	sadd.s32 $0x4800, s10;
	s13 =	sshll.u32 s0, $0x6;
	s15 =	smul.u32 $0xA00, s0  }
0xa: {  	s7 =	smul.u32 $0x140000, s14;
	_ =	strace $0x8000004D;
	s9 =	ssub.s32 $0x2, s14  }
0xb: {  	p0 =	sne.s32 s14, $0x0;
	s30 =	sshrl.u32 s9, $0x1;
	s11 =	sshrl.u32 s11, $0x2  }
0xc: {  	s31 =	sadd.s32 s15, s5;
	s15 =	simm.s32 $0x5;
	s7 =	sadd.s32 s8, s7  }
.Ltmp0:
0xd: {  	s16 =	ssub.s32 s9, s30;
	s17 =	sadd.s32 s11, s1;
	(pc) =	sbr.rel .LBB2_1-.Ltmp0, $4  }
0xe: {  	s9 =	smul.u32 $0xA0, s0;
	s8 =	sshrl.u32 s7, $0x3;
	s7 =	sadd.s32 $0x5E800, s10  }
0xf: {  	s14 =	sshrl.u32 s17, $0x3;
	s17 =	simm.s32 $0x80;
	s12 =	sadd.s32 s8, s10  }
0x10: {  	s8 =	sor.u32 $0x1C05, s13;
	s10 =	sadd.s32 $0x61010, s10;
	s13 =	sadd.s32 $0x30, s31  }
0x11: {  	s11 =	sadd.s32 $0x93000, s12;
	s12 =	smax.u32 s16, $0x1;
	s16 =	simm.s32 $0x2800  }
.LBB2_5:
0x12: {  	s28 =	sadd.s32 $0x1, s28  }
0x13: {  	p1 =	sne.s32 s28, s12  }
.Ltmp1:
0x14: {  	[bflag:$0x0] =	sbarrier.arrive $0xFFFF;
	(pc) =	sbr.rel @!p1 .LBB2_6-.Ltmp1, $4  }
0x15: {  	[hbm:s11], [sflag:s8] =	dma.local [spmem:s14], $0x2800  }
0x16: {  	_ =	swait.ge [sflag:s15], $0x2800  }
0x17: {  	[sflag:s15] =	ssyncset.done $0x0  }
0x18: {  	[sflag:s15] =	ssyncadd.s32 $0xFFFFD800  }
.LBB2_1:
0x19: {  	[spmem:s14], [sflag:s8] =	dma.local [hbm:s7], $0x2800  }
.Ltmp2:
0x1a: {  	_ =	swait.ge [sflag:s15], $0x2800;
	(pc) =	sbr.rel @p0 .LBB2_5-.Ltmp2, $4  }
0x1b: {  	[sflag:s15] =	ssyncset.done $0x0  }
0x1c: {  	[sflag:s15] =	ssyncadd.s32 $0xFFFFD800  }
0x1d: {  	[bflag:$0x0] =	sbarrier.arrive $0xFFFF  }
0x1e: {  	p2 =	por $0x1, $0x1;
	s29 =	simm.s32 $0x0  }
.LBB2_2:
0x1f: {  	s30 =	sadd.s32 s9, s29  }
0x20: {  	s30 =	sshll.u32 s30, $0x4  }
0x21: {  	s0 =	simm.s32 $0x0;
	s31 =	sadd.s32 s6, s30  }
0x22: {  	[tilespmem:s0], [sflag:$0x5] =	stream.linear.gather [hbm4b:s31+s0], $0x2800, $0x38;
	[tilespmem:$0x1E900] =	vst v63  }
0x23: {  	_ =	swait.ge [sflag:s15], $0x2800  }
0x24: {  	[sflag:s15] =	ssyncset.done $0x0  }
0x25: {  	s31 =	sadd.s32 s5, s30;
	[sflag:s15] =	ssyncadd.s32 $0xFFFFD800  }
0x26: {  	[tilespmem:s16], [sflag:$0x5] =	stream.linear.gather [hbm4b:s31+s0], $0x80, $0x38;
	[tilespmem:$0x1E900] =	vst v63  }
0x27: {  	_ =	swait.ge [sflag:s15], $0x80  }
0x28: {  	[sflag:s15] =	ssyncset.done $0x0  }
0x29: {  	[sflag:s15] =	ssyncadd.s32 $0xFFFFFF80  }
0x2a: {  	[tilespmem:s18], [sflag:$0x3] =	stream.indirect.gather [hbm4b:s4+s17], $0x80, s16, s17, $0xb8;
	[tilespmem:$0x1E900] =	vst v63  }
0x2b: {  	s30 =	sadd.s32 s30, s10  }
0x2c: {  	[tilespmem:s19], [sflag:$0x2] =	stream.linear.gather [hbm4b:s30+s0], $0x80, $0x38;
	[tilespmem:$0x1E900] =	vst v63  }
0x2d: {  	_ =	swait.ge [sflag:s20], $0x80  }
0x2e: {  	[sflag:s20] =	ssyncset.done $0x0  }
0x2f: {  	[sflag:s20] =	ssyncadd.s32 $0xFFFFFF80  }
0x30: {  	[tilespmem:s21], [sflag:$0x4] =	stream.indirect.gather [hbm4b:s4+s17], $0x80, s19, s17, $0xb8;
	[tilespmem:$0x1E900] =	vst v63  }
0x31: {  	_ =	swait.ge [sflag:s22], $0x4000  }
0x32: {  	[sflag:s22] =	ssyncset.done $0x0  }
0x33: {  	s2 =	simm.s32 $0x0;
	[sflag:s22] =	ssyncadd.s32 $0xFFFFC000  }
0x34: {  	[spmem:s1] =	stream.indirect.scatter.add.f32 [tilespmem:s18], [sflag:$0x5], $0x80, s2, s17, $0xb8;
	[tilespmem:$0x1E900] =	vst v63  }
0x35: {  	s2 =	sshll.u32 s29, $0x4;
	_ =	swait.ge [sflag:s15], $0x4000  }
0x36: {  	s29 =	sadd.s32 s2, s13;
	[sflag:s15] =	ssyncset.done $0x0  }
0x37: {  	s0 =	sadd.s32 $0xFFFFFFF0, s29;
	[sflag:s15] =	ssyncadd.s32 $0xFFFFC000  }
0x38: {  	[tilespmem:s16], [sflag:$0x1] =	stream.linear.gather [hbm4b:s0+s3], $0x80, $0x38;
	[tilespmem:$0x1E900] =	vst v63  }
0x39: {  	_ =	swait.ge [sflag:s23], $0x4000  }
0x3a: {  	[sflag:s23] =	ssyncset.done $0x0  }
0x3b: {  	s2 =	simm.s32 $0x80;
	[sflag:s23] =	ssyncadd.s32 $0xFFFFC000  }
0x3c: {  	[spmem:s1] =	stream.indirect.scatter.add.f32 [tilespmem:s21], [sflag:$0x5], $0x80, s2, s17, $0xb8;
	[tilespmem:$0x1E900] =	vst v63  }
0x3d: {  	_ =	swait.ge [sflag:s15], $0x4000  }
0x3e: {  	[sflag:s15] =	ssyncset.done $0x0  }
0x3f: {  	[sflag:s15] =	ssyncadd.s32 $0xFFFFC000  }
0x40: {  	_ =	swait.ge [sflag:s24], $0x80  }
0x41: {  	p1 =	por p2, p2;
	[sflag:s24] =	ssyncset.done $0x0  }
0x42: {  	s30 =	simm.s32 $0x400;
	s31 =	sadd.s32 $0x20, s29;
	[sflag:s24] =	ssyncadd.s32 $0xFFFFFF80  }
0x43: {  	[tilespmem:s18], [sflag:$0x3] =	stream.indirect.gather [hbm4b:s4+s17], $0x80, s16, s17, $0xb8;
	[tilespmem:$0x1E900] =	vst v63  }
.LBB2_3:
0x44: {  	[tilespmem:s19], [sflag:$0x2] =	stream.linear.gather [hbm4b:s29+s3], $0x80, $0x38;
	[tilespmem:$0x1E900] =	vst v63  }
0x45: {  	s0 =	smov.u32 s30;
	s29 =	smov.u32 s31  }
0x46: {  	p2 =	sne.s32 s30, $0x9800;
	s30 =	sadd.s32 $0x400, s30;
	_ =	swait.ge [sflag:s20], $0x80  }
0x47: {  	[sflag:s20] =	ssyncset.done $0x0  }
0x48: {  	[sflag:s20] =	ssyncadd.s32 $0xFFFFFF80  }
0x49: {  	[tilespmem:s21], [sflag:$0x4] =	stream.indirect.gather [hbm4b:s4+s17], $0x80, s19, s17, $0xb8;
	[tilespmem:$0x1E900] =	vst v63  }
0x4a: {  	_ =	swait.ge [sflag:s22], $0x4000  }
0x4b: {  	[sflag:s22] =	ssyncset.done $0x0  }
0x4c: {  	s0 =	sshra.s32 s0, $0x2;
	[sflag:s22] =	ssyncadd.s32 $0xFFFFC000  }
0x4d: {  	[spmem:s1] =	stream.indirect.scatter.add.f32 [tilespmem:s18], [sflag:$0x5], $0x80, s0, s17, $0xb8;
	[tilespmem:$0x1E900] =	vst v63  }
0x4e: {  	_ =	swait.ge [sflag:s15], $0x4000  }
0x4f: {  	[sflag:s15] =	ssyncset.done $0x0  }
0x50: {  	s2 =	sadd.s32 $0xFFFFFFF0, s31;
	[sflag:s15] =	ssyncadd.s32 $0xFFFFC000  }
0x51: {  	[tilespmem:s16], [sflag:$0x1] =	stream.linear.gather [hbm4b:s2+s3], $0x80, $0x38;
	[tilespmem:$0x1E900] =	vst v63  }
0x52: {  	_ =	swait.ge [sflag:s23], $0x4000  }
0x53: {  	[sflag:s23] =	ssyncset.done $0x0  }
0x54: {  	s0 =	sadd.s32 $0x80, s0;
	[sflag:s23] =	ssyncadd.s32 $0xFFFFC000  }
0x55: {  	[spmem:s1] =	stream.indirect.scatter.add.f32 [tilespmem:s21], [sflag:$0x5], $0x80, s0, s17, $0xb8;
	[tilespmem:$0x1E900] =	vst v63  }
0x56: {  	_ =	swait.ge [sflag:s15], $0x4000  }
0x57: {  	[sflag:s15] =	ssyncset.done $0x0  }
0x58: {  	[sflag:s15] =	ssyncadd.s32 $0xFFFFC000  }
.Ltmp3:
0x59: {  	_ =	swait.ge [sflag:s24], $0x80;
	(pc) =	sbr.rel @p2 .LBB2_3-.Ltmp3, $4  }
0x5a: {  	[sflag:s24] =	ssyncset.done $0x0  }
0x5b: {  	[sflag:s24] =	ssyncadd.s32 $0xFFFFFF80  }
0x5c: {  	[tilespmem:s18], [sflag:$0x3] =	stream.indirect.gather [hbm4b:s4+s17], $0x80, s16, s17, $0xb8;
	[tilespmem:$0x1E900] =	vst v63  }
0x5d: {  	s31 =	sadd.s32 $0x20, s31  }
0x5e: {  	[tilespmem:s19], [sflag:$0x2] =	stream.linear.gather [hbm4b:s29+s3], $0x80, $0x38;
	[tilespmem:$0x1E900] =	vst v63  }
0x5f: {  	_ =	swait.ge [sflag:s20], $0x80  }
0x60: {  	[sflag:s20] =	ssyncset.done $0x0  }
0x61: {  	[sflag:s20] =	ssyncadd.s32 $0xFFFFFF80  }
0x62: {  	[tilespmem:s21], [sflag:$0x4] =	stream.indirect.gather [hbm4b:s4+s17], $0x80, s19, s17, $0xb8;
	[tilespmem:$0x1E900] =	vst v63  }
0x63: {  	_ =	swait.ge [sflag:s22], $0x4000  }
0x64: {  	[sflag:s22] =	ssyncset.done $0x0  }
0x65: {  	[sflag:s22] =	ssyncadd.s32 $0xFFFFC000  }
0x66: {  	[spmem:s1] =	stream.indirect.scatter.add.f32 [tilespmem:s18], [sflag:$0x5], $0x80, s25, s17, $0xb8;
	[tilespmem:$0x1E900] =	vst v63  }
0x67: {  	_ =	swait.ge [sflag:s15], $0x4000  }
0x68: {  	[sflag:s15] =	ssyncset.done $0x0  }
0x69: {  	[sflag:s15] =	ssyncadd.s32 $0xFFFFC000  }
0x6a: {  	_ =	swait.ge [sflag:s23], $0x4000  }
0x6b: {  	[sflag:s23] =	ssyncset.done $0x0  }
0x6c: {  	[sflag:s23] =	ssyncadd.s32 $0xFFFFC000  }
0x6d: {  	[spmem:s1] =	stream.indirect.scatter.add.f32 [tilespmem:s21], [sflag:$0x5], $0x80, s26, s17, $0xb8;
	[tilespmem:$0x1E900] =	vst v63  }
.Ltmp4:
0x6e: {  	_ = 	snop;
	(pc) =	sbr.rel @p1 .LBB2_2-.Ltmp4, $4  }
.Ltmp5:
0x6f: {  	_ = 	snop;
	(pc) =	sbr.rel @!p1 .LBB2_5-.Ltmp5, $4  }
0x70: {  	_ =	swait.ge [sflag:s15], $0x4000  }
0x71: {  	[sflag:s15] =	ssyncset.done $0x0  }
0x72: {  	s29 =	simm.s32 $0x50;
	p2 =	por $0x0, $0x0;
	[sflag:s15] =	ssyncadd.s32 $0xFFFFC000  }
0x73: {  	_ = 	snop  }
.LBB2_6:
0x74: {  	_ =	sfence.sel $0x180000  }
0x75: {  	[bflag:$0x0] =	sbarrier.arrive $0xFFFF  }
0x76: {  	_ =	strace $0x9000004D  }
0x77: {  	s0 =	stileid.u32;
	[bflag:$0x2] =	sbarrier.arrive $0xFFFF  }
0x78: {  	p0 =	sne.s32 s0, $0x0;
	s0 =	rddreg [dreg:$0x2]  }
0x79: {  	s0 =	sadd.s32 @!p0 $0x100000, s0  }
0x7a: {  	[sflag:s0] =	ssyncadd.tile.s32 @!p0 $0x1;
	_ =	shalt  }
.Lfunc_end2:
_tile_overlayer_lowered:
.L_overlay_start_2:
0x7b: {  	(tag) =	ssettag $0x2  }
0x7c: {  	s0 =	rddreg [dreg:$0x0];
	s2 =	stileid.u32  }
0x7d: {  	s1 =	rddreg [dreg:$0x1];
	p0 =	sne.s32 s2, $0x0  }
0x7e: {  	s3 =	rddreg [dreg:$0x2];
	[bflag:$0x3] =	sbarrier.arrive $0xFFFF;
	s2 =	simm.s32 @!p0 $0x1C05  }
0x7f: {  	[timem:s3], [sflag:s2] =	dma.local @!p0 [hbm:s0], s1  }
0x80: {  	s0 =	simm.s32 @!p0 $0x5  }
0x81: {  	_ =	swait.ge @!p0 [sflag:s0], s1  }
0x82: {  	s1 =	ssub.s32 @!p0 $0x0, s1;
	[sflag:s0] =	ssyncset.done @!p0 $0x0  }
0x83: {  	[sflag:s0] =	ssyncadd.s32 @!p0 s1  }
0x84: {  	[bflag:$0x3] =	sbarrier.arrive $0xFFFF  }
0x85: {  	_ =	shalt  }

// kernel: kernel.9.cloned.1.call-start
scs
__scs_entry_jumppad:
0x0: {  	(pc) =	sbr.rel $0x88, $3  }
0x1: {  	(tag) =	ssettag $0x0;
	lr =	simm.s32 $0x1  }
0x2: {  	[smem:$0x3F95] =	sst lr;
	_ =	strace $0xD0000000  }
0x3: {  	_ = 	snop  }
0x4: {  	_ = 	snop  }
0x5: {  	_ = 	snop  }
0x6: {  	_ = 	snop  }
0x7: {  	_ = 	snop  }
__scs_overlays_trampoline_lowered:
0x8: {  	[smem:$0x3FA4] =	sst s0  }
0x9: {  	[smem:$0x3FA5] =	sst s1  }
0xa: {  	[smem:$0x3FA6] =	sst s2  }
0xb: {  	[smem:$0x3FA7] =	sst s3  }
0xc: {  	[smem:$0x3FA8] =	sst s4  }
0xd: {  	[smem:$0x3FA9] =	sst s5  }
0xe: {  	[smem:$0x3FAA] =	sst s6  }
0xf: {  	[smem:$0x3FAB] =	sst s7  }
0x10: {  	[smem:$0x3FAC] =	sst s8  }
0x11: {  	[smem:$0x3FAD] =	sst s9;
	s0 =	simm.s32 @!p0 $0x0  }
0x12: {  	s1 =	sld [smem:$0x3F93];
	s0 =	simm.s32 @p0 $0x1  }
0x13: {  	[smem:$0x3FAE] =	sst s0;
	s0 =	simm.s32 @!p1 $0x0  }
0x14: {  	s2 =	sld [smem:$0x3F92];
	s0 =	simm.s32 @p1 $0x1  }
0x15: {  	[smem:$0x3FAF] =	sst s0;
	s0 =	simm.s32 @!p2 $0x0  }
0x16: {  	s3 =	sld [smem:$0x3FDB];
	s0 =	simm.s32 @p2 $0x1  }
0x17: {  	s4 =	simm.s32 $0x1BF5;
	[smem:$0x3FB1] =	sst s0  }
0x18: {  	s0 =	sld [smem:$0x3F94];
	_ =	swait.ge [sflag:s4], $0x0  }
0x19: {  	s7 =	sld [smem:$0x3F95]  }
0x1a: {  	s8 =	sadd.s32 $0xFFFFE003, lr  }
0x1b: {  	s9 =	sadd.s32 $0xFFFFFEF7, lr;
	s5 =	simm.s32 $0xFFFFFFFF;
	p2 =	slt.u32 s8, $0xFFFFF086  }
0x1c: {  	p1 =	slt.u32 s9, $0xF7A;
	s5 =	simm.s32 @!p2 $0x0  }
0x1d: {  	s5 =	simm.s32 @p1 $0x1;
	p0 =	seq.s32 s7, s2  }
0x1e: {  	s7 =	smul.u32 @!p0 $0xF7A, s2;
	p2 =	seq.s32 @!p0 s5, $0x0  }
0x1f: {  	s9 =	smul.u32 $0xF7A, s1;
	s8 =	simm.s32 @!p0 $0x1BF5;
	p2 =	por !p2, p0  }
0x20: {  	[sflag:s8] =	ssyncset.s32 @!p0 $0xFFFFF086;
	s6 =	sadd.s32 @!p0 s3, s7;
	s7 =	simm.s32 @!p0 $0x108  }
0x21: {  	s3 =	sadd.s32 s3, s9;
	s6 =	sadd.s32 @!p0 $0x88, s6;
	s7 =	simm.s32 @p2 $0x1082  }
0x22: {  	[simem:s7], [sflag:s8] =	dma.local @!p0 [hbm:s6], $0xF7A  }
0x23: {  	s9 =	sor.u32 $0xD0000000, s2;
	s6 =	simm.s32 $0x108;
	_ =	swait.ge @!p0 [sflag:s8], $0x0  }
0x24: {  	s3 =	sadd.s32 $0x88, s3;
	s6 =	simm.s32 @!p1 $0x1082;
	[sflag:s4] =	ssyncset.s32 $0xFFFFF086  }
0x25: {  	[simem:s6], [sflag:s4] =	dma.local [hbm:s3], $0xF7A  }
0x26: {  	[smem:$0x3F95] =	sst s1;
	(tag) =	ssettag s2;
	_ =	strace s9  }
0x27: {  	s1 =	sld [smem:$0x3FA5]  }
0x28: {  	s2 =	sld [smem:$0x3FA6]  }
0x29: {  	s4 =	sld [smem:$0x3FA8]  }
0x2a: {  	p0 =	seq.s32 s5, $0x0;
	s5 =	sld [smem:$0x3FA9]  }
0x2b: {  	s6 =	sld [smem:$0x3FAA]  }
0x2c: {  	s7 =	sld [smem:$0x3FAB]  }
0x2d: {  	s3 =	simm.s32 $0x108;
	s8 =	sld [smem:$0x3FAC]  }
0x2e: {  	s3 =	simm.s32 @!p0 $0x1082;
	s9 =	sld [smem:$0x3FAD]  }
0x2f: {  	lr =	sadd.s32 s0, s3;
	s0 =	sld [smem:$0x3FA4]  }
0x30: {  	s3 =	sld [smem:$0x3FA7]  }
0x31: {  	[smem:$0x3FB0] =	sst s10  }
0x32: {  	s10 =	sld [smem:$0x3FAE];
	_ =	sdelay $0x3  }
0x33: {  	p0 =	seq.s32 s10, $0x1;
	s10 =	sld [smem:$0x3FB0];
	_ =	sdelay $0x3  }
0x34: {  	[smem:$0x3FB0] =	sst s10  }
0x35: {  	s10 =	sld [smem:$0x3FAF];
	_ =	sdelay $0x3  }
0x36: {  	p1 =	seq.s32 s10, $0x1;
	s10 =	sld [smem:$0x3FB0];
	_ =	sdelay $0x3  }
0x37: {  	[smem:$0x3FB0] =	sst s10  }
0x38: {  	s10 =	sld [smem:$0x3FB1]  }
0x39: {  	_ = 	snop;
	(pc) =	sbr.ind lr, $3  }
0x3a: {  	_ = 	snop  }
0x3b: {  	_ = 	snop  }
0x3c: {  	p2 =	seq.s32 s10, $0x1;
	s10 =	sld [smem:$0x3FB0]  }
0x3d: {  	_ =	shalt  }
0x3e: {  	_ =	shalt  }
0x3f: {  	_ =	shalt  }
0x40: {  	_ =	shalt  }
0x41: {  	_ =	shalt  }
0x42: {  	_ =	shalt  }
0x43: {  	_ =	shalt  }
0x44: {  	_ =	shalt  }
0x45: {  	_ =	shalt  }
0x46: {  	_ =	shalt  }
0x47: {  	_ =	shalt  }
0x48: {  	_ =	shalt  }
0x49: {  	_ =	shalt  }
0x4a: {  	_ =	shalt  }
0x4b: {  	_ =	shalt  }
0x4c: {  	_ =	shalt  }
0x4d: {  	_ =	shalt  }
0x4e: {  	_ =	shalt  }
0x4f: {  	_ =	shalt  }
0x50: {  	_ =	shalt  }
0x51: {  	_ =	shalt  }
0x52: {  	_ =	shalt  }
0x53: {  	_ =	shalt  }
0x54: {  	_ =	shalt  }
0x55: {  	_ =	shalt  }
0x56: {  	_ =	shalt  }
0x57: {  	_ =	shalt  }
0x58: {  	_ =	shalt  }
0x59: {  	_ =	shalt  }
0x5a: {  	_ =	shalt  }
0x5b: {  	_ =	shalt  }
0x5c: {  	_ =	shalt  }
0x5d: {  	_ =	shalt  }
0x5e: {  	_ =	shalt  }
0x5f: {  	_ =	shalt  }
0x60: {  	_ =	shalt  }
0x61: {  	_ =	shalt  }
0x62: {  	_ =	shalt  }
0x63: {  	_ =	shalt  }
0x64: {  	_ =	shalt  }
0x65: {  	_ =	shalt  }
0x66: {  	_ =	shalt  }
0x67: {  	_ =	shalt  }
0x68: {  	_ =	shalt  }
0x69: {  	_ =	shalt  }
0x6a: {  	_ =	shalt  }
0x6b: {  	_ =	shalt  }
0x6c: {  	_ =	shalt  }
0x6d: {  	_ =	shalt  }
0x6e: {  	_ =	shalt  }
0x6f: {  	_ =	shalt  }
0x70: {  	_ =	shalt  }
0x71: {  	_ =	shalt  }
0x72: {  	_ =	shalt  }
0x73: {  	_ =	shalt  }
0x74: {  	_ =	shalt  }
0x75: {  	_ =	shalt  }
0x76: {  	_ =	shalt  }
0x77: {  	_ =	shalt  }
0x78: {  	_ =	shalt  }
0x79: {  	_ =	shalt  }
0x7a: {  	_ =	shalt  }
0x7b: {  	_ =	shalt  }
0x7c: {  	_ =	shalt  }
0x7d: {  	_ =	shalt  }
0x7e: {  	_ =	shalt  }
0x7f: {  	_ =	shalt  }
0x80: {  	_ =	shalt  }
0x81: {  	_ =	shalt  }
0x82: {  	_ =	shalt  }
0x83: {  	_ =	shalt  }
0x84: {  	_ =	shalt  }
0x85: {  	_ =	shalt  }
0x86: {  	_ =	shalt  }
0x87: {  	_ =	shalt  }
.Lfunc_end0:
.L_simem_size_0:
called_computation_lowered:
.L_overlay_start_0:
0x88: {  	s2 =	sld [smem:$0x3FD9]  }
0x89: {  	s3 =	sld [smem:$0x3FFE];
	_ =	sdelay $0x1  }
0x8a: {  	s1 =	srdreg.scid  }
0x8b: {  	s0 =	sand.u32 $0x1, s1  }
0x8c: {  	s16 =	sshll.u32 s0, $0xA;
	s2 =	sadd.s32 s3, s2  }
0x8d: {  	s2 =	sadd.s32 s2, s16  }
0x8e: {  	[smem:$0x3FBC] =	sst s2  }
0x8f: {  	_ = 	snop  }
0x90: {  	(tm) =	ssettm $0x1  }
0x91: {  	s17 =	sld [smem:$0x3FFB];
	_ =	sdelay $0x3  }
0x92: {  	_ =	strace s17  }
0x93: {  	s2 =	sld [smem:$0x3FFC];
	_ =	sdelay $0x3  }
0x94: {  	_ =	strace s2  }
0x95: {  	s2 =	sld [smem:$0x3FFD];
	_ =	sdelay $0x3  }
0x96: {  	_ =	strace s2  }
0x97: {  	_ =	strace $0x8FFFFFFF  }
0x98: {  	s18 =	sld [smem:$0x3FDB];
	_ =	sdelay $0x1  }
0x99: {  	s19 =	simm.s32 $_scs_section_size  }
0x9a: {  	s4 =	simm.s32 $_size__tile_overlayer_lowered;
	s5 =	simm.s32 $_tile_overlayer_lowered  }
0x9b: {  	s22 =	simm.s32 $0x1BFF;
	s21 =	sshll.u32 s5, $0x1;
	s2 =	sadd.s32 s19, s18  }
0x9c: {  	s6 =	simm.s32 $0x0;
	s20 =	sshll.u32 s4, $0x1;
	s4 =	sadd.s32 s21, s2  }
0x9d: {  	[timem:s6], [sflag:s22] =	dma.local [hbm:s4], s20  }
0x9e: {  	_ =	swait.ge [sflag:s22], s20  }
0x9f: {  	s3 =	ssub.s32 $0x0, s20;
	[sflag:s22] =	ssyncset.done $0x0  }
0xa0: {  	[sflag:s22] =	ssyncadd.s32 s3;
	_ =	sdelay $0x1  }
0xa1: {  	s23 =	simm.s32 $0x1B8B  }
0xa2: {  	_ =	swait.ge [sflag:s23], $0x1  }
0xa3: {  	[sflag:s23] =	ssyncset.done $0x0  }
0xa4: {  	s25 =	simm.s32 $0x1B8E;
	s24 =	sld [smem:$0x3FFE];
	[sflag:s23] =	ssyncadd.s32 $0xFFFFFFFF  }
0xa5: {  	s26 =	simm.s32 $execute0_lowered;
	[smem:$0x3FD2] =	sst s25  }
0xa6: {  	s4 =	sshll.u32 s26, $0x1;
	_ =	strace $0x80000046;
	[dreg:$0x1] =	wrdreg $0xFFFFFFFF  }
0xa7: {  	s28 =	simm.s32 $_size_execute0_lowered;
	s2 =	sadd.s32 s2, s4;
	[dreg:$0x0] =	wrdreg $0x0  }
0xa8: {  	s4 =	sshll.u32 s28, $0x1;
	[dreg:$0x2] =	wrdreg s2  }
0xa9: {  	[dreg:$0x3] =	wrdreg s4  }
0xaa: {  	[dreg:$0x4] =	wrdreg $0xC0  }
0xab: {  	_ =	task [dreg:s6], $0x5FFFF  }
0xac: {  	[dreg:$0x1] =	wrdreg $0xFFFFFFFF  }
0xad: {  	[dreg:$0x0] =	wrdreg $0x60  }
0xae: {  	[dreg:$0x2] =	wrdreg s24  }
0xaf: {  	[dreg:$0x3] =	wrdreg $0x68000  }
0xb0: {  	[dreg:$0x4] =	wrdreg $0x9  }
0xb1: {  	_ =	task.clear_ibuf [dreg:s6], $0x5FFFF;
	_ =	strace $0x90000046  }
0xb2: {  	s29 =	simm.s32 $0x9;
	_ =	strace $0x80000048  }
0xb3: {  	_ =	swait.ge [sflag:s29], $0x1  }
0xb4: {  	[sflag:s29] =	ssyncadd.s32 $0xFFFFFFFF  }
0xb5: {  	_ =	strace $0x90000048  }
0xb6: {  	_ =	sfence  }
0xb7: {  	s30 =	sld [smem:$0x0];
	_ =	sdelay $0x2  }
0xb8: {  	s31 =	sshll.u32 s1, $0xD;
	s1 =	sshrl.u32 s1, $0x2  }
0xb9: {  	s3 =	sand.u32 $0x4000, s31;
	s1 =	sadd.s32 s1, s30  }
0xba: {  	s0 =	sor.u32 s3, s0;
	s1 =	sshll.u32 s1, $0x11  }
0xbb: {  	s0 =	sor.u32 s1, s0  }
0xbc: {  	s0 =	sadd.s32 $0x8F2B, s0  }
0xbd: {  	[sflag:s0] =	ssyncadd.remote.s32 $0x1  }
0xbe: {  	_ =	sfence.sel $0xFFFF  }
0xbf: {  	[dreg:$0x0] =	wrdreg $0xFFFFFFFF;
	(pc) =	sbr.abs _section_cstart, $3  }
0xc0: {  	[dreg:$0x1] =	wrdreg $0xFFFFFFFF  }
0xc1: {  	_ =	task.clear_ibuf [dreg:s6], $0x2FFFF;
	_ =	strace $0x9FFFFFFF  }
0xc2: {  	(tm) =	ssettm $0x7FFFFFFF  }
0xc3: {  	_ =	shalt  }
tec
execute0_lowered:
.L_overlay_start_1:
0x0: {  	(tag) =	ssettag $0x1  }
0x1: {  	s5 =	rddreg [dreg:$0x0]  }
0x2: {  	s0 =	srdreg.scid;
	s2 =	rddreg [dreg:$0x1];
	s3 =	simm.s32 $0x0  }
0x3: {  	s11 =	simm.s32 $0x80;
	s4 =	sand.u32 $0x1, s0;
	s0 =	stileid.u32  }
0x4: {  	s12 =	simm.s32 $0x2800;
	[smem:$0x7FF] =	sst s3;
	s7 =	smul.u32 $0x140000, s4  }
0x5: {  	s1 =	sshll.u32 s4, $0x4;
	s8 =	smul.u32 $0x14000, s0;
	s28 =	ssub.s32 $0x2, s4  }
0x6: {  	s9 =	smul.u32 $0x50000, s0;
	s4 =	sadd.s32 $0xE800, s5;
	s1 =	sor.u32 s0, s1  }
0x7: {  	s31 =	sshll.u32 s0, $0x6;
	s29 =	sshrl.u32 s28, $0x1;
	s6 =	smul.u32 $0x500, s1  }
0x8: {  	s1 =	rddreg [dreg:$0x2];
	_ =	strace $0x80000047;
	s7 =	sadd.s32 s8, s7  }
0x9: {  	s8 =	ssub.s32 s28, s29;
	s30 =	sshrl.u32 s9, $0x2;
	s9 =	sor.u32 $0x1C01, s31  }
0xa: {  	s7 =	sshrl.u32 s7, $0x3;
	s10 =	sadd.s32 s30, s2;
	s6 =	sadd.s32 s6, s5  }
0xb: {  	s7 =	sadd.s32 s7, s5;
	s10 =	sshrl.u32 s10, $0x3;
	s5 =	sadd.s32 $0x4800, s6  }
0xc: {  	v0 =	vimm.f32 $1.000000000e+00;
	s6 =	sadd.s32 $0x11000, s7;
	s7 =	smax.u32 s8, $0x1;
	s8 =	simm.s32 $0x1  }
.LBB2_1:
0xd: {  	s13 =	simm.s32 $0x200;
	s14 =	simm.s32 $0x0  }
.LBB2_2:
0xe: {  	p0 =	sne.s32 s13, $0xFE00;
	[tilespmem:s14+$0x2800] =	vst v0;
	s14 =	smov.u32 s13;
	s13 =	sadd.s32 $0x200, s13  }
.Ltmp0:
0xf: {  	(pc) =	sbr.rel @p0 .LBB2_2-.Ltmp0, $2  }
0x10: {  	_ =	sdelay $0x2  }
0x11: {  	s14 =	sshra.s32 s14, $0x2  }
0x12: {  	[tilespmem:s14+$0x2800] =	vst v0;
	s13 =	simm.s32 $0x0  }
0x13: {  	[tilespmem:s13], [sflag:$0x1] =	stream.linear.gather [hbm4b:s5+s13], $0x2800, $0x38;
	[tilespmem:$0x9000] =	vst v63  }
0x14: {  	_ =	swait.ge [sflag:s8], $0x2800  }
0x15: {  	[sflag:s8] =	ssyncset.done $0x0  }
0x16: {  	[sflag:s8] =	ssyncadd.s32 $0xFFFFD800  }
0x17: {  	[spmem:s10], [sflag:s9] =	dma.local [hbm:s4], $0x2800  }
0x18: {  	_ =	swait.ge [sflag:s8], $0x2800  }
0x19: {  	[sflag:s8] =	ssyncset.done $0x0  }
0x1a: {  	[sflag:s8] =	ssyncadd.s32 $0xFFFFD800  }
0x1b: {  	s31 =	simm.s32 $0x0;
	[bflag:$0x0] =	sbarrier.arrive $0xFFFF  }
0x1c: {  	[spmem:s2] =	stream.indirect.scatter.add.f32 [tilespmem:s12], [sflag:$0x1], $0x10, s31, s11, $0xb8;
	[tilespmem:$0x9000] =	vst v63  }
0x1d: {  	_ =	swait.ge [sflag:s8], $0x800  }
0x1e: {  	s13 =	simm.s32 $0x200;
	[sflag:s8] =	ssyncset.done $0x0  }
.LBB2_4:
0x1f: {  	s14 =	sshra.s32 s13, $0x2;
	[sflag:s8] =	ssyncadd.s32 $0xFFFFF800;
	p0 =	sne.s32 s13, $0x9E00  }
0x20: {  	[spmem:s2] =	stream.indirect.scatter.add.f32 [tilespmem:s12], [sflag:$0x1], $0x10, s14, s11, $0xb8;
	[tilespmem:$0x9000] =	vst v63  }
.Ltmp1:
0x21: {  	_ = 	snop;
	(pc) =	sbr.rel @p0 .LBB2_4-.Ltmp1, $4  }
0x22: {  	_ = 	snop  }
0x23: {  	s13 =	sadd.s32 $0x200, s13  }
0x24: {  	_ =	swait.ge [sflag:s8], $0x800  }
0x25: {  	[sflag:s8] =	ssyncset.done $0x0  }
0x26: {  	s3 =	sadd.s32 $0x1, s3  }
0x27: {  	[sflag:s8] =	ssyncadd.s32 $0xFFFFF800;
	p0 =	sne.s32 s3, s7  }
.Ltmp2:
0x28: {  	[bflag:$0x0] =	sbarrier.arrive $0xFFFF;
	(pc) =	sbr.rel @p0 .LBB2_1-.Ltmp2, $4  }
0x29: {  	[hbm:s6], [sflag:s9] =	dma.local [spmem:s10], $0x2800  }
0x2a: {  	_ =	swait.ge [sflag:s8], $0x2800  }
0x2b: {  	[sflag:s8] =	ssyncset.done $0x0  }
0x2c: {  	[sflag:s8] =	ssyncadd.s32 $0xFFFFD800  }
0x2d: {  	_ =	sfence.sel $0x180000  }
0x2e: {  	[bflag:$0x0] =	sbarrier.arrive $0xFFFF  }
0x2f: {  	p0 =	sne.s32 s0, $0x0;
	_ =	strace $0x90000047  }
0x30: {  	s0 =	sadd.s32 @!p0 $0x100000, s1;
	[bflag:$0x2] =	sbarrier.arrive $0xFFFF  }
0x31: {  	[sflag:s0] =	ssyncadd.tile.s32 @!p0 $0x1;
	_ =	shalt  }
.Lfunc_end2:
_tile_overlayer_lowered:
.L_overlay_start_2:
0x32: {  	(tag) =	ssettag $0x2  }
0x33: {  	s0 =	rddreg [dreg:$0x0];
	s2 =	stileid.u32  }
0x34: {  	s1 =	rddreg [dreg:$0x1];
	p0 =	sne.s32 s2, $0x0  }
0x35: {  	s3 =	rddreg [dreg:$0x2];
	[bflag:$0x3] =	sbarrier.arrive $0xFFFF;
	s2 =	simm.s32 @!p0 $0x1C01  }
0x36: {  	[timem:s3], [sflag:s2] =	dma.local @!p0 [hbm:s0], s1  }
0x37: {  	s0 =	simm.s32 @!p0 $0x1  }
0x38: {  	_ =	swait.ge @!p0 [sflag:s0], s1  }
0x39: {  	s1 =	ssub.s32 @!p0 $0x0, s1;
	[sflag:s0] =	ssyncset.done @!p0 $0x0  }
0x3a: {  	[sflag:s0] =	ssyncadd.s32 @!p0 s1  }
0x3b: {  	[bflag:$0x3] =	sbarrier.arrive $0xFFFF  }
0x3c: {  	_ =	shalt  }

</sc_bundles>
